<compile_context>
chip_gen: v7x
topology: tpu7x:2x2x1
jax: 0.10.2.dev20260603
libtpu: 0.0.44.dev20260713+nightly
codegen_flags: <defaults>
</compile_context>

<pallas_src>
import functools

import jax
import jax.numpy as jnp
from jax import lax
from jax.experimental import pallas as pl
from jax.experimental.pallas import tpu as pltpu
from jax.experimental.pallas import tpu_sc as plsc

_N = 10000
_E = 320000
_BN = 128
_F32 = jnp.float32

_NC = 2
_NS = 16
_NW = _NC * _NS
_CHUNK = 64
_NCH_A = 156
_NCH_B = 157
_NTA = 24
_EPT_A = _NCH_A * _CHUNK
_EPT_B = _NCH_B * _CHUNK
_SPLIT = _NTA * _EPT_A
_NCHP = 160
_PG = 16
_SROWS = _N
_ZR = 8
_ZW = 79
_CP0 = 624


def _lk(x):
    return jnp.maximum(x, x * 0.01)



def _ab_body(x, ws, wd, wt1, a_o, b_o):
    xv = x[...]
    wt1v = wt1[...]
    wst = jnp.dot(ws[...], wt1v, preferred_element_type=_F32)
    wdt = jnp.dot(wd[...], wt1v, preferred_element_type=_F32)
    a_o[...] = jnp.dot(xv, wst, preferred_element_type=_F32)
    b_o[...] = jnp.dot(xv, wdt, preferred_element_type=_F32)



def _c_body(ea, we, be, bs, bd, wt1, bt1, c_o):
    wt1v = wt1[...]
    wet = jnp.dot(we[...], wt1v, preferred_element_type=_F32)
    bsum = be[...] + bs[...] + bd[...]
    cvec = jnp.dot(bsum, wt1v, preferred_element_type=_F32) + bt1[...]
    c_o[...] = jnp.dot(ea[...], wet, preferred_element_type=_F32) + cvec



def _sc_body(src_h, dst_h, sidx_h, a_hbm, b_hbm, c_hbm, z128,
             s_out,
             src2d, dst2d, sidx2d, a_v, b_v, c_v, s_sh,
             sema, semb, semc):
    cid = lax.axis_index("c")
    sid = lax.axis_index("s")
    wid = sid * _NC + cid

    zrow = sid * (_N // _NS)

    def _zs(j, c):
        zo = jnp.minimum(zrow + j * _ZR, _N - _ZR)
        pltpu.sync_copy(z128, s_sh.at[pl.ds(zo, _ZR)])
        return c

    lax.fori_loop(0, _ZW, _zs, 0)
    plsc.subcore_barrier()

    ebase = jnp.where(wid < _NTA, wid * _EPT_A,
                      _SPLIT + (wid - _NTA) * _EPT_B)
    nch = jnp.where(wid < _NTA, _NCH_A, _NCH_B)

    def page(p, carry0):
        pbase = p * _PG

        def _ld(j, c):
            sl8 = pl.ds(j * 8, 8)
            slh = pl.ds(pbase + j * 8, 8)
            pltpu.sync_copy(src_h.at[wid, slh], src2d.at[sl8])
            pltpu.sync_copy(dst_h.at[wid, slh], dst2d.at[sl8])
            pltpu.sync_copy(sidx_h.at[wid, slh], sidx2d.at[sl8])
            return c

        lax.fori_loop(0, _PG // 8, _ld, 0)
        cnt = jnp.minimum(nch - pbase, _PG)

        def chunk(i, carry):
            it = pbase + i
            base = ebase + it * _CHUNK
            cpa = pltpu.async_copy(a_hbm.at[src2d.at[i]], a_v, sema)
            cpb = pltpu.async_copy(b_hbm.at[dst2d.at[i]], b_v, semb)
            cpc = pltpu.async_copy(c_hbm.at[pl.ds(base, _CHUNK)], c_v, semc)
            cpa.wait()
            cpb.wait()
            cpc.wait()

            @plsc.parallel_loop(0, _CHUNK, 1, unroll=4)
            def _row(r):
                for k in range(_BN // 16):
                    sl = pl.ds(k * 16, 16)
                    z = a_v[r, sl] + b_v[r, sl] + c_v[r, sl]
                    a_v[r, sl] = jnp.maximum(z, z * 0.01)
            pltpu.sync_copy(a_v, s_sh.at[sidx2d.at[i]], add=True)
            return carry

        lax.fori_loop(0, cnt, chunk, 0)
        return carry0

    lax.fori_loop(0, _NCHP // _PG, page, 0)
    plsc.subcore_barrier()

    off = sid * _CP0

    @pl.when(sid < _NS - 1)
    def _copy_main():
        pltpu.sync_copy(s_sh.at[pl.ds(off, _CP0)],
                        s_out.at[cid, pl.ds(off, _CP0)])

    @pl.when(sid == _NS - 1)
    def _copy_last():
        lo = (_NS - 1) * _CP0
        cp1 = _N - lo
        pltpu.sync_copy(s_sh.at[pl.ds(lo, cp1)], s_out.at[cid, pl.ds(lo, cp1)])



def _deg_body(dst_h, zdeg, deg_out,
              dst2d, ones_v, deg_sh, semd):
    cid = lax.axis_index("c")
    sid = lax.axis_index("s")
    wid = sid * _NC + cid

    def _ones_row(r, c):
        ones_v[r, :] = jnp.full((16,), 1.0, _F32)
        return c

    lax.fori_loop(0, _CHUNK, _ones_row, 0)

    zrow = sid * (_N // _NS)

    def _zs(j, c):
        zo = jnp.minimum(zrow + j * _ZR, _N - _ZR)
        pltpu.sync_copy(zdeg, deg_sh.at[pl.ds(zo, _ZR)])
        return c

    lax.fori_loop(0, _ZW, _zs, 0)
    plsc.subcore_barrier()

    nch = jnp.where(wid < _NTA, _NCH_A, _NCH_B)

    def page(p, carry0):
        pbase = p * _PG

        def _ld(j, c):
            pltpu.sync_copy(dst_h.at[wid, pl.ds(pbase + j * 8, 8)],
                            dst2d.at[pl.ds(j * 8, 8)])
            return c

        lax.fori_loop(0, _PG // 8, _ld, 0)
        cnt = jnp.minimum(nch - pbase, _PG)

        def chunk(i, carry):
            pltpu.async_copy(ones_v, deg_sh.at[dst2d.at[i]], semd, add=True)
            return carry

        lax.fori_loop(0, cnt, chunk, 0)

        def drain(i, carry):
            pltpu.make_async_copy(ones_v, deg_sh.at[dst2d.at[i]], semd).wait()
            return carry

        lax.fori_loop(0, cnt, drain, 0)
        return carry0

    lax.fori_loop(0, _NCHP // _PG, page, 0)
    plsc.subcore_barrier()

    off = sid * _CP0

    @pl.when(sid < _NS - 1)
    def _copy_main():
        pltpu.sync_copy(deg_sh.at[pl.ds(off, _CP0)],
                        deg_out.at[cid, pl.ds(off, _CP0)])

    @pl.when(sid == _NS - 1)
    def _copy_last():
        lo = (_NS - 1) * _CP0
        cp1 = _N - lo
        pltpu.sync_copy(deg_sh.at[pl.ds(lo, cp1)],
                        deg_out.at[cid, pl.ds(lo, cp1)])



def _out_body(x, sp, dp, wt2, bt2, wpd, bpd, wpe, bpe,
              wp1, bp1, wp2, bp2, wp3, bp3, o):
    s = sp[0] + sp[1]
    dsum = dp[0] + dp[1]
    deg = dsum[:, 0:1]
    msg = jnp.dot(s, wt2[...], preferred_element_type=_F32) + deg * bt2[...]
    h = (jnp.dot(x[...], wpd[...], preferred_element_type=_F32) + bpd[...]
         + jnp.dot(msg, wpe[...], preferred_element_type=_F32) + bpe[...])
    h = _lk(h)
    h = _lk(jnp.dot(h, wp1[...], preferred_element_type=_F32) + bp1[...])
    h = _lk(jnp.dot(h, wp2[...], preferred_element_type=_F32) + bp2[...])
    o[...] = jnp.dot(h, wp3[...], preferred_element_type=_F32) + bp3[...]


def _full(shape):
    return pl.BlockSpec(shape, lambda i: tuple(0 for _ in shape))


def kernel(node_feat, edge_index, edge_attr, We, be, Ws, bs, Wd, bd,
           Wt1, bt1, Wt2, bt2, Wpd, bpd, Wpe, bpe,
           Wp1, bp1, Wp2, bp2, Wp3, bp3):
    f32 = _F32
    be2, bs2, bd2, bt12 = (b.reshape(1, -1) for b in (be, bs, bd, bt1))
    bt22, bpd2, bpe2 = (b.reshape(1, -1) for b in (bt2, bpd, bpe))
    bp12, bp22, bp32 = (b.reshape(1, -1) for b in (bp1, bp2, bp3))

    rn = 1000
    hb = lambda i: (i, 0)
    a_arr, b_arr = pl.pallas_call(
        _ab_body,
        grid=(_N // rn,),
        in_specs=[pl.BlockSpec((rn, 128), hb),
                  _full((128, 128)), _full((128, 128)), _full((128, 128))],
        out_specs=[pl.BlockSpec((rn, 128), hb)] * 2,
        out_shape=[jax.ShapeDtypeStruct((_N, _BN), f32)] * 2,
    )(node_feat, Ws, Wd, Wt1)

    pad_a = ((0, 0), (0, _NCHP - _NCH_A), (0, 0))
    pad_b = ((0, 0), (0, _NCHP - _NCH_B), (0, 0))
    src_h = jnp.concatenate(
        [jnp.pad(edge_index[0, :_SPLIT].reshape(_NTA, _NCH_A, _CHUNK), pad_a),
         jnp.pad(edge_index[0, _SPLIT:].reshape(_NW - _NTA, _NCH_B, _CHUNK),
                 pad_b)], axis=0)
    dst_h = jnp.concatenate(
        [jnp.pad(edge_index[1, :_SPLIT].reshape(_NTA, _NCH_A, _CHUNK), pad_a),
         jnp.pad(edge_index[1, _SPLIT:].reshape(_NW - _NTA, _NCH_B, _CHUNK),
                 pad_b)], axis=0)
    z128 = jnp.zeros((_ZR, _BN), f32)
    zdeg = jnp.zeros((_ZR, 16), f32)

    mesh = plsc.VectorSubcoreMesh(core_axis_name="c", subcore_axis_name="s",
                                  num_cores=_NC, num_subcores=_NS)
    deg_call = functools.partial(
        pl.kernel,
        out_type=[jax.ShapeDtypeStruct((_NC, _N, 16), f32)],
        mesh=mesh,
        scratch_types=[
            pltpu.VMEM((_PG, _CHUNK), jnp.int32),
            pltpu.VMEM((_CHUNK, 16), f32),
            pltpu.VMEM_SHARED((_SROWS, 16), f32),
            pltpu.SemaphoreType.DMA,
        ],
    )(_deg_body)
    (deg_p,) = deg_call(dst_h, zdeg)

    re_ = 2000
    c_arr = pl.pallas_call(
        _c_body,
        grid=(_E // re_,),
        in_specs=[pl.BlockSpec((re_, 16), hb),
                  _full((16, 128)), _full((1, 128)), _full((1, 128)),
                  _full((1, 128)), _full((128, 128)), _full((1, 128))],
        out_specs=pl.BlockSpec((re_, 128), hb),
        out_shape=jax.ShapeDtypeStruct((_E, _BN), f32),
    )(edge_attr, We, be2, bs2, bd2, Wt1, bt12)

    sc_call = functools.partial(
        pl.kernel,
        out_type=[jax.ShapeDtypeStruct((_NC, _N, _BN), f32)],
        mesh=mesh,
        scratch_types=[
            pltpu.VMEM((_PG, _CHUNK), jnp.int32),
            pltpu.VMEM((_PG, _CHUNK), jnp.int32),
            pltpu.VMEM((_PG, _CHUNK), jnp.int32),
            pltpu.VMEM((_CHUNK, _BN), f32),
            pltpu.VMEM((_CHUNK, _BN), f32),
            pltpu.VMEM((_CHUNK, _BN), f32),
            pltpu.VMEM_SHARED((_SROWS, _BN), f32),
            pltpu.SemaphoreType.DMA,
            pltpu.SemaphoreType.DMA,
            pltpu.SemaphoreType.DMA,
        ],
    )(_sc_body)
    (s_p,) = sc_call(src_h, dst_h, dst_h, a_arr, b_arr, c_arr, z128)



    out = pl.pallas_call(
        _out_body,
        grid=(_N // rn,),
        in_specs=[pl.BlockSpec((rn, 128), hb),
                  pl.BlockSpec((_NC, rn, 128), lambda i: (0, i, 0)),
                  pl.BlockSpec((_NC, rn, 16), lambda i: (0, i, 0)),
                  _full((128, 128)), _full((1, 128)),
                  _full((128, 64)), _full((1, 64)),
                  _full((128, 64)), _full((1, 64)),
                  _full((64, 64)), _full((1, 64)),
                  _full((64, 64)), _full((1, 64)),
                  _full((64, 128)), _full((1, 128))],
        out_specs=pl.BlockSpec((rn, 128), hb),
        out_shape=jax.ShapeDtypeStruct((_N, 128), f32),
    )(node_feat, s_p, deg_p, Wt2, bt22, Wpd, bpd2, Wpe, bpe2,
      Wp1, bp12, Wp2, bp22, Wp3, bp32)
    return out

# --- scband reference (transcript-rebuilt; emitter-appended) ---
"""Pipeline reference for scband-message-passing-layer-5549097746959 (READ-ONLY COPY).

The authoritative reference and input builder live on the scoring server;
editing this copy changes nothing except your own understanding.
"""

import jax, jax.numpy as jnp
import numpy as np

N = 10000
E = 320000
DF = 128
DE = 16
BN = 128
H = 64
OUT = 128


def _leaky(x):
    return jax.nn.leaky_relu(x, negative_slope=0.01)


def setup_inputs(seed: int = 0) -> dict:
    key = jax.random.key(seed)
    ks = jax.random.split(key, 32)

    def w(k, shape):
        return (jax.random.normal(k, shape, dtype=jnp.float32) * 0.05)

    inp = {}
    inp["node_feat"] = jax.random.normal(ks[0], (N, DF), dtype=jnp.float32)
    inp["edge_index"] = jax.random.randint(ks[1], (2, E), 0, N)
    inp["edge_attr"] = jax.random.normal(ks[2], (E, DE), dtype=jnp.float32)
    # edge_affine: Linear(DE, BN)
    inp["We"] = w(ks[3], (DE, BN)); inp["be"] = jnp.zeros((BN,), jnp.float32)
    # src_affine / dst_affine: Linear(DF, BN)
    inp["Ws"] = w(ks[4], (DF, BN)); inp["bs"] = jnp.zeros((BN,), jnp.float32)
    inp["Wd"] = w(ks[5], (DF, BN)); inp["bd"] = jnp.zeros((BN,), jnp.float32)
    # theta_edge: MLP(BN -> BN, hidden_dim=BN, 1 hidden layer, leaky_relu)
    inp["Wt1"] = w(ks[6], (BN, BN)); inp["bt1"] = jnp.zeros((BN,), jnp.float32)
    inp["Wt2"] = w(ks[7], (BN, BN)); inp["bt2"] = jnp.zeros((BN,), jnp.float32)
    # phi_dst: Linear(DF, H); phi_edge: Linear(BN, H)
    inp["Wpd"] = w(ks[8], (DF, H)); inp["bpd"] = jnp.zeros((H,), jnp.float32)
    inp["Wpe"] = w(ks[9], (BN, H)); inp["bpe"] = jnp.zeros((H,), jnp.float32)
    # phi: MLP(H -> OUT, activation_first=True, hidden_layer=2, hidden_dim=H)
    inp["Wp1"] = w(ks[10], (H, H)); inp["bp1"] = jnp.zeros((H,), jnp.float32)
    inp["Wp2"] = w(ks[11], (H, H)); inp["bp2"] = jnp.zeros((H,), jnp.float32)
    inp["Wp3"] = w(ks[12], (H, OUT)); inp["bp3"] = jnp.zeros((OUT,), jnp.float32)
    return inp


def reference(node_feat, edge_index, edge_attr,
              We, be, Ws, bs, Wd, bd,
              Wt1, bt1, Wt2, bt2,
              Wpd, bpd, Wpe, bpe,
              Wp1, bp1, Wp2, bp2, Wp3, bp3):
    src = edge_index[0]
    dst = edge_index[1]
    h_src = jnp.take(node_feat, src, axis=0)
    h_dst = jnp.take(node_feat, dst, axis=0)
    # apply_edges: theta_edge(edge_affine(e) + src_affine(h_src) + dst_affine(h_dst))
    pre = (edge_attr @ We + be) + (h_src @ Ws + bs) + (h_dst @ Wd + bd)
    e_emb = _leaky(pre @ Wt1 + bt1) @ Wt2 + bt2
    # update_all: copy_e -> sum reduce onto dst nodes
    message = jax.ops.segment_sum(e_emb, dst, num_segments=N)
    # phi(phi_dst(node_feat) + phi_edge(message)), activation_first MLP with 2 hidden layers
    h = (node_feat @ Wpd + bpd) + (message @ Wpe + bpe)
    h = _leaky(h)
    h = _leaky(h @ Wp1 + bp1)
    h = _leaky(h @ Wp2 + bp2)
    node_emb = h @ Wp3 + bp3
    return node_emb

if __name__ == "__main__":
    import jax
    _d = setup_inputs()
    print(jax.jit(kernel)(*tuple(_d.values())))

</pallas_src>

<mosaic_0001>
#map = affine_map<(d0, d1) -> (0, 0, 0)>
#map1 = affine_map<(d0, d1) -> (0, 0)>
module attributes {stable_mosaic.version = 14 : i64} {
  func.func @_sc_body(%arg0: i32, %arg1: i32, %arg2: memref<32x160x64xi32, #tpu.memory_space<hbm>>, %arg3: memref<32x160x64xi32, #tpu.memory_space<hbm>>, %arg4: memref<32x160x64xi32, #tpu.memory_space<hbm>>, %arg5: memref<10000x128xf32, #tpu.memory_space<hbm>>, %arg6: memref<10000x128xf32, #tpu.memory_space<hbm>>, %arg7: memref<320000x128xf32, #tpu.memory_space<hbm>>, %arg8: memref<8x128xf32, #tpu.memory_space<hbm>>, %arg9: memref<2x10000x128xf32, #tpu.memory_space<hbm>>, %arg10: memref<16x64xi32, #tpu.memory_space<vmem>>, %arg11: memref<16x64xi32, #tpu.memory_space<vmem>>, %arg12: memref<16x64xi32, #tpu.memory_space<vmem>>, %arg13: memref<64x128xf32, #tpu.memory_space<vmem>>, %arg14: memref<64x128xf32, #tpu.memory_space<vmem>>, %arg15: memref<64x128xf32, #tpu.memory_space<vmem>>, %arg16: memref<10000x128xf32, #tpu.memory_space<vmem_shared>>, %arg17: memref<!tpu.dma_semaphore, #tpu.memory_space<semaphore_mem>>, %arg18: memref<!tpu.dma_semaphore, #tpu.memory_space<semaphore_mem>>, %arg19: memref<!tpu.dma_semaphore, #tpu.memory_space<semaphore_mem>>) attributes {dimension_semantics = [#tpu.dimension_semantics<core_parallel>, #tpu.dimension_semantics<subcore_parallel>], iteration_bounds = array<i64: 2, 16>, scalar_prefetch = 0 : i64, scratch_operands = 10 : i64, tpu.core_type = #tpu.core_type<sc_vector_subcore>, window_params = [{transform_indices = #map}, {transform_indices = #map}, {transform_indices = #map}, {transform_indices = #map1}, {transform_indices = #map1}, {transform_indices = #map1}, {transform_indices = #map1}, {transform_indices = #map}]} {
    %mul3A = arith.constant 2 : i32
    %mul3A_0 = arith.muli %arg1, %mul3A : i32
    %add3A = arith.addi %mul3A_0, %arg0 : i32
    %mul3A_1 = arith.constant 625 : i32
    %mul3A_2 = arith.muli %arg1, %mul3A_1 : i32
    %scan3A = arith.constant 0 : i32
    %scan3A_3 = arith.constant 0 : i32
    %scan3A_4 = arith.constant 79 : i32
    %scan3A_5 = arith.addi %scan3A_3, %scan3A_4 : i32
    %scan3A_6 = arith.constant 1 : i32
    scf.for %scan3A_36 = %scan3A_3 to %scan3A_5 step %scan3A_6  : i32 {
      %mul3A_37 = arith.constant 8 : i32
      %mul3A_38 = arith.muli %scan3A_36, %mul3A_37 : i32
      %add3A_39 = arith.addi %mul3A_2, %mul3A_38 : i32
      %min3A = arith.constant 9992 : i32
      %min3A_40 = arith.minsi %add3A_39, %min3A : i32
      "tpu.region"() ({
        %run_scoped3A = tpu.sem_alloc : memref<!tpu.dma_semaphore, #tpu.memory_space<semaphore_mem>>
        %dma_start3A = arith.constant 0 : i32
        %dma_start3A_41 = tpu.memref_slice %arg16[%min3A_40, %dma_start3A] : memref<10000x128xf32, #tpu.memory_space<vmem_shared>> -> memref<8x128xf32, #tpu.memory_space<vmem_shared>>
        tpu.enqueue_dma source(%arg8 : memref<8x128xf32, #tpu.memory_space<hbm>>) target(%dma_start3A_41 : memref<8x128xf32, #tpu.memory_space<vmem_shared>>) target_semaphore(%run_scoped3A : memref<!tpu.dma_semaphore, #tpu.memory_space<semaphore_mem>>)
        %dma_wait3A = arith.constant 0 : i32
        %dma_wait3A_42 = tpu.memref_slice %arg16[%min3A_40, %dma_wait3A] : memref<10000x128xf32, #tpu.memory_space<vmem_shared>> -> memref<8x128xf32, #tpu.memory_space<vmem_shared>>
        tpu.wait_dma2 semaphore(%run_scoped3A : memref<!tpu.dma_semaphore, #tpu.memory_space<semaphore_mem>>) src(%arg8 : memref<8x128xf32, #tpu.memory_space<hbm>>) dst(%dma_wait3A_42 : memref<8x128xf32, #tpu.memory_space<vmem_shared>>)
        tpu.yield
      }) : () -> ()
    }
    %scan3A_7 = arith.constant 79 : i32
    %barrier3A = arith.constant 0 : index
    tpu.barrier barrier_id(%barrier3A)
    %lt3A = arith.constant 24 : i32
    %lt3A_8 = arith.cmpi slt, %add3A, %lt3A : i32
    %mul3A_9 = arith.constant 9984 : i32
    %mul3A_10 = arith.muli %add3A, %mul3A_9 : i32
    %sub3A = arith.constant 24 : i32
    %sub3A_11 = arith.subi %add3A, %sub3A : i32
    %mul3A_12 = arith.constant 10048 : i32
    %mul3A_13 = arith.muli %sub3A_11, %mul3A_12 : i32
    %add3A_14 = arith.constant 239616 : i32
    %add3A_15 = arith.addi %add3A_14, %mul3A_13 : i32
    %select_n3A = arith.select %lt3A_8, %mul3A_10, %add3A_15 : i32
    %lt3A_16 = arith.constant 24 : i32
    %lt3A_17 = arith.cmpi slt, %add3A, %lt3A_16 : i32
    %jit3A = arith.constant 156 : i32
    %jit3A_18 = arith.constant 157 : i32
    %select_n3A_19 = arith.select %lt3A_17, %jit3A, %jit3A_18 : i32
    %scan3A_20 = arith.constant 0 : i32
    %scan3A_21 = arith.constant 0 : i32
    %scan3A_22 = arith.constant 10 : i32
    %scan3A_23 = arith.addi %scan3A_21, %scan3A_22 : i32
    %scan3A_24 = arith.constant 1 : i32
    scf.for %scan3A_36 = %scan3A_21 to %scan3A_23 step %scan3A_24  : i32 {
      %mul3A_37 = arith.constant 16 : i32
      %mul3A_38 = arith.muli %scan3A_36, %mul3A_37 : i32
      %scan3A_39 = arith.constant 0 : i32
      %scan3A_40 = arith.constant 0 : i32
      %scan3A_41 = arith.constant 2 : i32
      %scan3A_42 = arith.addi %scan3A_40, %scan3A_41 : i32
      %scan3A_43 = arith.constant 1 : i32
      scf.for %scan3A_56 = %scan3A_40 to %scan3A_42 step %scan3A_43  : i32 {
        %mul3A_57 = arith.constant 8 : i32
        %mul3A_58 = arith.muli %scan3A_56, %mul3A_57 : i32
        %mul3A_59 = arith.constant 8 : i32
        %mul3A_60 = arith.muli %scan3A_56, %mul3A_59 : i32
        %add3A_61 = arith.addi %mul3A_38, %mul3A_60 : i32
        "tpu.region"() ({
          %run_scoped3A = tpu.sem_alloc : memref<!tpu.dma_semaphore, #tpu.memory_space<semaphore_mem>>
          %dma_start3A = arith.constant 0 : i32
          %dma_start3A_62 = tpu.memref_slice %arg10[%mul3A_58, %dma_start3A] : memref<16x64xi32, #tpu.memory_space<vmem>> -> memref<8x64xi32, #tpu.memory_space<vmem>>
          %dma_start3A_63 = arith.constant 0 : i32
          %dma_start3A_64 = tpu.memref_slice %arg2[%add3A, %add3A_61, %dma_start3A_63] : memref<32x160x64xi32, #tpu.memory_space<hbm>> -> memref<1x8x64xi32, #tpu.memory_space<hbm>>
          %dma_start3A_65 = tpu.memref_squeeze %dma_start3A_64 : memref<1x8x64xi32, #tpu.memory_space<hbm>> -> memref<8x64xi32, #tpu.memory_space<hbm>>
          %dma_start3A_66 = arith.constant 0 : i32
          %dma_start3A_67 = tpu.memref_slice %arg10[%mul3A_58, %dma_start3A_66] : memref<16x64xi32, #tpu.memory_space<vmem>> -> memref<8x64xi32, #tpu.memory_space<vmem>>
          %dma_start3A_68 = arith.constant 0 : i32
          %dma_start3A_69 = tpu.memref_slice %arg2[%add3A, %add3A_61, %dma_start3A_68] : memref<32x160x64xi32, #tpu.memory_space<hbm>> -> memref<1x8x64xi32, #tpu.memory_space<hbm>>
          %dma_start3A_70 = tpu.memref_squeeze %dma_start3A_69 : memref<1x8x64xi32, #tpu.memory_space<hbm>> -> memref<8x64xi32, #tpu.memory_space<hbm>>
          tpu.enqueue_dma source(%dma_start3A_70 : memref<8x64xi32, #tpu.memory_space<hbm>>) target(%dma_start3A_67 : memref<8x64xi32, #tpu.memory_space<vmem>>) target_semaphore(%run_scoped3A : memref<!tpu.dma_semaphore, #tpu.memory_space<semaphore_mem>>)
          %dma_wait3A = arith.constant 0 : i32
          %dma_wait3A_71 = tpu.memref_slice %arg10[%mul3A_58, %dma_wait3A] : memref<16x64xi32, #tpu.memory_space<vmem>> -> memref<8x64xi32, #tpu.memory_space<vmem>>
          %dma_wait3A_72 = arith.constant 0 : i32
          %dma_wait3A_73 = tpu.memref_slice %arg2[%add3A, %add3A_61, %dma_wait3A_72] : memref<32x160x64xi32, #tpu.memory_space<hbm>> -> memref<1x8x64xi32, #tpu.memory_space<hbm>>
          %dma_wait3A_74 = tpu.memref_squeeze %dma_wait3A_73 : memref<1x8x64xi32, #tpu.memory_space<hbm>> -> memref<8x64xi32, #tpu.memory_space<hbm>>
          %dma_wait3A_75 = arith.constant 0 : i32
          %dma_wait3A_76 = tpu.memref_slice %arg10[%mul3A_58, %dma_wait3A_75] : memref<16x64xi32, #tpu.memory_space<vmem>> -> memref<8x64xi32, #tpu.memory_space<vmem>>
          %dma_wait3A_77 = arith.constant 0 : i32
          %dma_wait3A_78 = tpu.memref_slice %arg2[%add3A, %add3A_61, %dma_wait3A_77] : memref<32x160x64xi32, #tpu.memory_space<hbm>> -> memref<1x8x64xi32, #tpu.memory_space<hbm>>
          %dma_wait3A_79 = tpu.memref_squeeze %dma_wait3A_78 : memref<1x8x64xi32, #tpu.memory_space<hbm>> -> memref<8x64xi32, #tpu.memory_space<hbm>>
          tpu.wait_dma2 semaphore(%run_scoped3A : memref<!tpu.dma_semaphore, #tpu.memory_space<semaphore_mem>>) src(%dma_wait3A_79 : memref<8x64xi32, #tpu.memory_space<hbm>>) dst(%dma_wait3A_76 : memref<8x64xi32, #tpu.memory_space<vmem>>)
          tpu.yield
        }) : () -> ()
        "tpu.region"() ({
          %run_scoped3A = tpu.sem_alloc : memref<!tpu.dma_semaphore, #tpu.memory_space<semaphore_mem>>
          %dma_start3A = arith.constant 0 : i32
          %dma_start3A_62 = tpu.memref_slice %arg11[%mul3A_58, %dma_start3A] : memref<16x64xi32, #tpu.memory_space<vmem>> -> memref<8x64xi32, #tpu.memory_space<vmem>>
          %dma_start3A_63 = arith.constant 0 : i32
          %dma_start3A_64 = tpu.memref_slice %arg3[%add3A, %add3A_61, %dma_start3A_63] : memref<32x160x64xi32, #tpu.memory_space<hbm>> -> memref<1x8x64xi32, #tpu.memory_space<hbm>>
          %dma_start3A_65 = tpu.memref_squeeze %dma_start3A_64 : memref<1x8x64xi32, #tpu.memory_space<hbm>> -> memref<8x64xi32, #tpu.memory_space<hbm>>
          %dma_start3A_66 = arith.constant 0 : i32
          %dma_start3A_67 = tpu.memref_slice %arg11[%mul3A_58, %dma_start3A_66] : memref<16x64xi32, #tpu.memory_space<vmem>> -> memref<8x64xi32, #tpu.memory_space<vmem>>
          %dma_start3A_68 = arith.constant 0 : i32
          %dma_start3A_69 = tpu.memref_slice %arg3[%add3A, %add3A_61, %dma_start3A_68] : memref<32x160x64xi32, #tpu.memory_space<hbm>> -> memref<1x8x64xi32, #tpu.memory_space<hbm>>
          %dma_start3A_70 = tpu.memref_squeeze %dma_start3A_69 : memref<1x8x64xi32, #tpu.memory_space<hbm>> -> memref<8x64xi32, #tpu.memory_space<hbm>>
          tpu.enqueue_dma source(%dma_start3A_70 : memref<8x64xi32, #tpu.memory_space<hbm>>) target(%dma_start3A_67 : memref<8x64xi32, #tpu.memory_space<vmem>>) target_semaphore(%run_scoped3A : memref<!tpu.dma_semaphore, #tpu.memory_space<semaphore_mem>>)
          %dma_wait3A = arith.constant 0 : i32
          %dma_wait3A_71 = tpu.memref_slice %arg11[%mul3A_58, %dma_wait3A] : memref<16x64xi32, #tpu.memory_space<vmem>> -> memref<8x64xi32, #tpu.memory_space<vmem>>
          %dma_wait3A_72 = arith.constant 0 : i32
          %dma_wait3A_73 = tpu.memref_slice %arg3[%add3A, %add3A_61, %dma_wait3A_72] : memref<32x160x64xi32, #tpu.memory_space<hbm>> -> memref<1x8x64xi32, #tpu.memory_space<hbm>>
          %dma_wait3A_74 = tpu.memref_squeeze %dma_wait3A_73 : memref<1x8x64xi32, #tpu.memory_space<hbm>> -> memref<8x64xi32, #tpu.memory_space<hbm>>
          %dma_wait3A_75 = arith.constant 0 : i32
          %dma_wait3A_76 = tpu.memref_slice %arg11[%mul3A_58, %dma_wait3A_75] : memref<16x64xi32, #tpu.memory_space<vmem>> -> memref<8x64xi32, #tpu.memory_space<vmem>>
          %dma_wait3A_77 = arith.constant 0 : i32
          %dma_wait3A_78 = tpu.memref_slice %arg3[%add3A, %add3A_61, %dma_wait3A_77] : memref<32x160x64xi32, #tpu.memory_space<hbm>> -> memref<1x8x64xi32, #tpu.memory_space<hbm>>
          %dma_wait3A_79 = tpu.memref_squeeze %dma_wait3A_78 : memref<1x8x64xi32, #tpu.memory_space<hbm>> -> memref<8x64xi32, #tpu.memory_space<hbm>>
          tpu.wait_dma2 semaphore(%run_scoped3A : memref<!tpu.dma_semaphore, #tpu.memory_space<semaphore_mem>>) src(%dma_wait3A_79 : memref<8x64xi32, #tpu.memory_space<hbm>>) dst(%dma_wait3A_76 : memref<8x64xi32, #tpu.memory_space<vmem>>)
          tpu.yield
        }) : () -> ()
        "tpu.region"() ({
          %run_scoped3A = tpu.sem_alloc : memref<!tpu.dma_semaphore, #tpu.memory_space<semaphore_mem>>
          %dma_start3A = arith.constant 0 : i32
          %dma_start3A_62 = tpu.memref_slice %arg12[%mul3A_58, %dma_start3A] : memref<16x64xi32, #tpu.memory_space<vmem>> -> memref<8x64xi32, #tpu.memory_space<vmem>>
          %dma_start3A_63 = arith.constant 0 : i32
          %dma_start3A_64 = tpu.memref_slice %arg4[%add3A, %add3A_61, %dma_start3A_63] : memref<32x160x64xi32, #tpu.memory_space<hbm>> -> memref<1x8x64xi32, #tpu.memory_space<hbm>>
          %dma_start3A_65 = tpu.memref_squeeze %dma_start3A_64 : memref<1x8x64xi32, #tpu.memory_space<hbm>> -> memref<8x64xi32, #tpu.memory_space<hbm>>
          %dma_start3A_66 = arith.constant 0 : i32
          %dma_start3A_67 = tpu.memref_slice %arg12[%mul3A_58, %dma_start3A_66] : memref<16x64xi32, #tpu.memory_space<vmem>> -> memref<8x64xi32, #tpu.memory_space<vmem>>
          %dma_start3A_68 = arith.constant 0 : i32
          %dma_start3A_69 = tpu.memref_slice %arg4[%add3A, %add3A_61, %dma_start3A_68] : memref<32x160x64xi32, #tpu.memory_space<hbm>> -> memref<1x8x64xi32, #tpu.memory_space<hbm>>
          %dma_start3A_70 = tpu.memref_squeeze %dma_start3A_69 : memref<1x8x64xi32, #tpu.memory_space<hbm>> -> memref<8x64xi32, #tpu.memory_space<hbm>>
          tpu.enqueue_dma source(%dma_start3A_70 : memref<8x64xi32, #tpu.memory_space<hbm>>) target(%dma_start3A_67 : memref<8x64xi32, #tpu.memory_space<vmem>>) target_semaphore(%run_scoped3A : memref<!tpu.dma_semaphore, #tpu.memory_space<semaphore_mem>>)
          %dma_wait3A = arith.constant 0 : i32
          %dma_wait3A_71 = tpu.memref_slice %arg12[%mul3A_58, %dma_wait3A] : memref<16x64xi32, #tpu.memory_space<vmem>> -> memref<8x64xi32, #tpu.memory_space<vmem>>
          %dma_wait3A_72 = arith.constant 0 : i32
          %dma_wait3A_73 = tpu.memref_slice %arg4[%add3A, %add3A_61, %dma_wait3A_72] : memref<32x160x64xi32, #tpu.memory_space<hbm>> -> memref<1x8x64xi32, #tpu.memory_space<hbm>>
          %dma_wait3A_74 = tpu.memref_squeeze %dma_wait3A_73 : memref<1x8x64xi32, #tpu.memory_space<hbm>> -> memref<8x64xi32, #tpu.memory_space<hbm>>
          %dma_wait3A_75 = arith.constant 0 : i32
          %dma_wait3A_76 = tpu.memref_slice %arg12[%mul3A_58, %dma_wait3A_75] : memref<16x64xi32, #tpu.memory_space<vmem>> -> memref<8x64xi32, #tpu.memory_space<vmem>>
          %dma_wait3A_77 = arith.constant 0 : i32
          %dma_wait3A_78 = tpu.memref_slice %arg4[%add3A, %add3A_61, %dma_wait3A_77] : memref<32x160x64xi32, #tpu.memory_space<hbm>> -> memref<1x8x64xi32, #tpu.memory_space<hbm>>
          %dma_wait3A_79 = tpu.memref_squeeze %dma_wait3A_78 : memref<1x8x64xi32, #tpu.memory_space<hbm>> -> memref<8x64xi32, #tpu.memory_space<hbm>>
          tpu.wait_dma2 semaphore(%run_scoped3A : memref<!tpu.dma_semaphore, #tpu.memory_space<semaphore_mem>>) src(%dma_wait3A_79 : memref<8x64xi32, #tpu.memory_space<hbm>>) dst(%dma_wait3A_76 : memref<8x64xi32, #tpu.memory_space<vmem>>)
          tpu.yield
        }) : () -> ()
      }
      %scan3A_44 = arith.constant 2 : i32
      %sub3A_45 = arith.subi %select_n3A_19, %mul3A_38 : i32
      %min3A = arith.constant 16 : i32
      %min3A_46 = arith.minsi %sub3A_45, %min3A : i32
      %while3A = arith.constant 0 : i32
      %while3A_47 = arith.constant 0 : i32
      %while3A_48 = arith.subi %min3A_46, %while3A_47 : i32
      %while3A_49 = arith.addi %while3A_47, %while3A_48 : i32
      %while3A_50 = arith.constant 1 : i32
      %while3A_51 = arith.divsi %while3A_48, %while3A_50 : i32
      %while3A_52 = arith.muli %while3A_51, %while3A_50 : i32
      %while3A_53 = arith.addi %while3A_47, %while3A_52 : i32
      %while3A_54 = arith.constant 1 : i32
      scf.for %while3A_56 = %while3A_47 to %while3A_53 step %while3A_54  : i32 {
        %add3A_57 = arith.addi %mul3A_38, %while3A_56 : i32
        %mul3A_58 = arith.constant 64 : i32
        %mul3A_59 = arith.muli %add3A_57, %mul3A_58 : i32
        %add3A_60 = arith.addi %select_n3A, %mul3A_59 : i32
        %dma_start3A = arith.constant 0 : i32
        %dma_start3A_61 = tpu.memref_slice %arg10[%while3A_56, %dma_start3A] : memref<16x64xi32, #tpu.memory_space<vmem>> -> memref<1x64xi32, #tpu.memory_space<vmem>>
        %dma_start3A_62 = tpu.memref_squeeze %dma_start3A_61 : memref<1x64xi32, #tpu.memory_space<vmem>> -> memref<64xi32, #tpu.memory_space<vmem>>
        %dma_start3A_63 = arith.constant 0 : i32
        %dma_start3A_64 = arith.constant 0 : i32
        %dma_start3A_65 = tpu.memref_slice %arg5[%dma_start3A_63, %dma_start3A_64] : memref<10000x128xf32, #tpu.memory_space<hbm>> -> memref<10000x128xf32, #tpu.memory_space<hbm>>
        tpu.enqueue_indirect_dma source(%dma_start3A_65 : memref<10000x128xf32, #tpu.memory_space<hbm>>) target(%arg13 : memref<64x128xf32, #tpu.memory_space<vmem>>) offsets(%dma_start3A_62 : memref<64xi32, #tpu.memory_space<vmem>>) semaphore(%arg17 : memref<!tpu.dma_semaphore, #tpu.memory_space<semaphore_mem>>)
        %dma_start3A_66 = arith.constant 0 : i32
        %dma_start3A_67 = tpu.memref_slice %arg11[%while3A_56, %dma_start3A_66] : memref<16x64xi32, #tpu.memory_space<vmem>> -> memref<1x64xi32, #tpu.memory_space<vmem>>
        %dma_start3A_68 = tpu.memref_squeeze %dma_start3A_67 : memref<1x64xi32, #tpu.memory_space<vmem>> -> memref<64xi32, #tpu.memory_space<vmem>>
        %dma_start3A_69 = arith.constant 0 : i32
        %dma_start3A_70 = arith.constant 0 : i32
        %dma_start3A_71 = tpu.memref_slice %arg6[%dma_start3A_69, %dma_start3A_70] : memref<10000x128xf32, #tpu.memory_space<hbm>> -> memref<10000x128xf32, #tpu.memory_space<hbm>>
        tpu.enqueue_indirect_dma source(%dma_start3A_71 : memref<10000x128xf32, #tpu.memory_space<hbm>>) target(%arg14 : memref<64x128xf32, #tpu.memory_space<vmem>>) offsets(%dma_start3A_68 : memref<64xi32, #tpu.memory_space<vmem>>) semaphore(%arg18 : memref<!tpu.dma_semaphore, #tpu.memory_space<semaphore_mem>>)
        %dma_start3A_72 = arith.constant 0 : i32
        %dma_start3A_73 = tpu.memref_slice %arg7[%add3A_60, %dma_start3A_72] : memref<320000x128xf32, #tpu.memory_space<hbm>> -> memref<64x128xf32, #tpu.memory_space<hbm>>
        %dma_start3A_74 = arith.constant 0 : i32
        %dma_start3A_75 = tpu.memref_slice %arg7[%add3A_60, %dma_start3A_74] : memref<320000x128xf32, #tpu.memory_space<hbm>> -> memref<64x128xf32, #tpu.memory_space<hbm>>
        tpu.enqueue_dma source(%dma_start3A_75 : memref<64x128xf32, #tpu.memory_space<hbm>>) target(%arg15 : memref<64x128xf32, #tpu.memory_space<vmem>>) target_semaphore(%arg19 : memref<!tpu.dma_semaphore, #tpu.memory_space<semaphore_mem>>)
        %dma_wait3A = arith.constant 0 : i32
        %dma_wait3A_76 = tpu.memref_slice %arg10[%while3A_56, %dma_wait3A] : memref<16x64xi32, #tpu.memory_space<vmem>> -> memref<1x64xi32, #tpu.memory_space<vmem>>
        %dma_wait3A_77 = tpu.memref_squeeze %dma_wait3A_76 : memref<1x64xi32, #tpu.memory_space<vmem>> -> memref<64xi32, #tpu.memory_space<vmem>>
        %dma_wait3A_78 = arith.constant 0 : i32
        %dma_wait3A_79 = arith.constant 0 : i32
        %dma_wait3A_80 = tpu.memref_slice %arg5[%dma_wait3A_78, %dma_wait3A_79] : memref<10000x128xf32, #tpu.memory_space<hbm>> -> memref<10000x128xf32, #tpu.memory_space<hbm>>
        tpu.wait_indirect_dma semaphore(%arg17 : memref<!tpu.dma_semaphore, #tpu.memory_space<semaphore_mem>>) src(%dma_wait3A_80 : memref<10000x128xf32, #tpu.memory_space<hbm>>) dst(%arg13 : memref<64x128xf32, #tpu.memory_space<vmem>>)
        %dma_wait3A_81 = arith.constant 0 : i32
        %dma_wait3A_82 = tpu.memref_slice %arg11[%while3A_56, %dma_wait3A_81] : memref<16x64xi32, #tpu.memory_space<vmem>> -> memref<1x64xi32, #tpu.memory_space<vmem>>
        %dma_wait3A_83 = tpu.memref_squeeze %dma_wait3A_82 : memref<1x64xi32, #tpu.memory_space<vmem>> -> memref<64xi32, #tpu.memory_space<vmem>>
        %dma_wait3A_84 = arith.constant 0 : i32
        %dma_wait3A_85 = arith.constant 0 : i32
        %dma_wait3A_86 = tpu.memref_slice %arg6[%dma_wait3A_84, %dma_wait3A_85] : memref<10000x128xf32, #tpu.memory_space<hbm>> -> memref<10000x128xf32, #tpu.memory_space<hbm>>
        tpu.wait_indirect_dma semaphore(%arg18 : memref<!tpu.dma_semaphore, #tpu.memory_space<semaphore_mem>>) src(%dma_wait3A_86 : memref<10000x128xf32, #tpu.memory_space<hbm>>) dst(%arg14 : memref<64x128xf32, #tpu.memory_space<vmem>>)
        %dma_wait3A_87 = arith.constant 0 : i32
        %dma_wait3A_88 = tpu.memref_slice %arg7[%add3A_60, %dma_wait3A_87] : memref<320000x128xf32, #tpu.memory_space<hbm>> -> memref<64x128xf32, #tpu.memory_space<hbm>>
        %dma_wait3A_89 = arith.constant 0 : i32
        %dma_wait3A_90 = tpu.memref_slice %arg7[%add3A_60, %dma_wait3A_89] : memref<320000x128xf32, #tpu.memory_space<hbm>> -> memref<64x128xf32, #tpu.memory_space<hbm>>
        tpu.wait_dma2 semaphore(%arg19 : memref<!tpu.dma_semaphore, #tpu.memory_space<semaphore_mem>>) src(%dma_wait3A_90 : memref<64x128xf32, #tpu.memory_space<hbm>>) dst(%arg15 : memref<64x128xf32, #tpu.memory_space<vmem>>)
        %parallel_loop3A = arith.constant 0 : i32
        %parallel_loop3A_91 = arith.constant 64 : i32
        %parallel_loop3A_92 = arith.constant 1 : i32
        scf.for %parallel_loop3A_93 = %parallel_loop3A to %parallel_loop3A_91 step %parallel_loop3A_92  : i32 {
          %parallel_loop3A_94 = arith.index_cast %parallel_loop3A_93 : i32 to index
          %parallel_loop3A_95 = arith.constant 0 : index
          %parallel_loop3A_96 = tpu.vector_load %arg13[%parallel_loop3A_94, %parallel_loop3A_95] {strides = array<i32>} : memref<64x128xf32, #tpu.memory_space<vmem>>, vector<1x16xf32>,
          %parallel_loop3A_97 = vector.shape_cast %parallel_loop3A_96 : vector<1x16xf32> to vector<16xf32>
          %parallel_loop3A_98 = arith.index_cast %parallel_loop3A_93 : i32 to index
          %parallel_loop3A_99 = arith.constant 0 : index
          %parallel_loop3A_100 = tpu.vector_load %arg14[%parallel_loop3A_98, %parallel_loop3A_99] {strides = array<i32>} : memref<64x128xf32, #tpu.memory_space<vmem>>, vector<1x16xf32>,
          %parallel_loop3A_101 = vector.shape_cast %parallel_loop3A_100 : vector<1x16xf32> to vector<16xf32>
          %parallel_loop3A_102 = arith.addf %parallel_loop3A_97, %parallel_loop3A_101 : vector<16xf32>
          %parallel_loop3A_103 = arith.index_cast %parallel_loop3A_93 : i32 to index
          %parallel_loop3A_104 = arith.constant 0 : index
          %parallel_loop3A_105 = tpu.vector_load %arg15[%parallel_loop3A_103, %parallel_loop3A_104] {strides = array<i32>} : memref<64x128xf32, #tpu.memory_space<vmem>>, vector<1x16xf32>,
          %parallel_loop3A_106 = vector.shape_cast %parallel_loop3A_105 : vector<1x16xf32> to vector<16xf32>
          %parallel_loop3A_107 = arith.addf %parallel_loop3A_102, %parallel_loop3A_106 : vector<16xf32>
          %parallel_loop3A_108 = arith.constant 0.00999999977 : f32
          %parallel_loop3A_109 = vector.broadcast %parallel_loop3A_108 : f32 to vector<16xf32>
          %parallel_loop3A_110 = arith.mulf %parallel_loop3A_107, %parallel_loop3A_109 : vector<16xf32>
          %parallel_loop3A_111 = arith.maximumf %parallel_loop3A_107, %parallel_loop3A_110 : vector<16xf32>
          %parallel_loop3A_112 = arith.index_cast %parallel_loop3A_93 : i32 to index
          %parallel_loop3A_113 = arith.constant 0 : index
          %parallel_loop3A_114 = tpu.vector_load %arg13[%parallel_loop3A_112, %parallel_loop3A_113] {strides = array<i32>} : memref<64x128xf32, #tpu.memory_space<vmem>>, vector<1x16xf32>,
          %parallel_loop3A_115 = vector.shape_cast %parallel_loop3A_114 : vector<1x16xf32> to vector<16xf32>
          %parallel_loop3A_116 = vector.shape_cast %parallel_loop3A_111 : vector<16xf32> to vector<1x16xf32>
          tpu.vector_store %arg13[%parallel_loop3A_112, %parallel_loop3A_113], %parallel_loop3A_116 {strides = array<i32>} : memref<64x128xf32, #tpu.memory_space<vmem>>, vector<1x16xf32>,
          %parallel_loop3A_117 = arith.index_cast %parallel_loop3A_93 : i32 to index
          %parallel_loop3A_118 = arith.constant 16 : index
          %parallel_loop3A_119 = tpu.vector_load %arg13[%parallel_loop3A_117, %parallel_loop3A_118] {strides = array<i32>} : memref<64x128xf32, #tpu.memory_space<vmem>>, vector<1x16xf32>,
          %parallel_loop3A_120 = vector.shape_cast %parallel_loop3A_119 : vector<1x16xf32> to vector<16xf32>
          %parallel_loop3A_121 = arith.index_cast %parallel_loop3A_93 : i32 to index
          %parallel_loop3A_122 = arith.constant 16 : index
          %parallel_loop3A_123 = tpu.vector_load %arg14[%parallel_loop3A_121, %parallel_loop3A_122] {strides = array<i32>} : memref<64x128xf32, #tpu.memory_space<vmem>>, vector<1x16xf32>,
          %parallel_loop3A_124 = vector.shape_cast %parallel_loop3A_123 : vector<1x16xf32> to vector<16xf32>
          %parallel_loop3A_125 = arith.addf %parallel_loop3A_120, %parallel_loop3A_124 : vector<16xf32>
          %parallel_loop3A_126 = arith.index_cast %parallel_loop3A_93 : i32 to index
          %parallel_loop3A_127 = arith.constant 16 : index
          %parallel_loop3A_128 = tpu.vector_load %arg15[%parallel_loop3A_126, %parallel_loop3A_127] {strides = array<i32>} : memref<64x128xf32, #tpu.memory_space<vmem>>, vector<1x16xf32>,
          %parallel_loop3A_129 = vector.shape_cast %parallel_loop3A_128 : vector<1x16xf32> to vector<16xf32>
          %parallel_loop3A_130 = arith.addf %parallel_loop3A_125, %parallel_loop3A_129 : vector<16xf32>
          %parallel_loop3A_131 = arith.constant 0.00999999977 : f32
          %parallel_loop3A_132 = vector.broadcast %parallel_loop3A_131 : f32 to vector<16xf32>
          %parallel_loop3A_133 = arith.mulf %parallel_loop3A_130, %parallel_loop3A_132 : vector<16xf32>
          %parallel_loop3A_134 = arith.maximumf %parallel_loop3A_130, %parallel_loop3A_133 : vector<16xf32>
          %parallel_loop3A_135 = arith.index_cast %parallel_loop3A_93 : i32 to index
          %parallel_loop3A_136 = arith.constant 16 : index
          %parallel_loop3A_137 = tpu.vector_load %arg13[%parallel_loop3A_135, %parallel_loop3A_136] {strides = array<i32>} : memref<64x128xf32, #tpu.memory_space<vmem>>, vector<1x16xf32>,
          %parallel_loop3A_138 = vector.shape_cast %parallel_loop3A_137 : vector<1x16xf32> to vector<16xf32>
          %parallel_loop3A_139 = vector.shape_cast %parallel_loop3A_134 : vector<16xf32> to vector<1x16xf32>
          tpu.vector_store %arg13[%parallel_loop3A_135, %parallel_loop3A_136], %parallel_loop3A_139 {strides = array<i32>} : memref<64x128xf32, #tpu.memory_space<vmem>>, vector<1x16xf32>,
          %parallel_loop3A_140 = arith.index_cast %parallel_loop3A_93 : i32 to index
          %parallel_loop3A_141 = arith.constant 32 : index
          %parallel_loop3A_142 = tpu.vector_load %arg13[%parallel_loop3A_140, %parallel_loop3A_141] {strides = array<i32>} : memref<64x128xf32, #tpu.memory_space<vmem>>, vector<1x16xf32>,
          %parallel_loop3A_143 = vector.shape_cast %parallel_loop3A_142 : vector<1x16xf32> to vector<16xf32>
          %parallel_loop3A_144 = arith.index_cast %parallel_loop3A_93 : i32 to index
          %parallel_loop3A_145 = arith.constant 32 : index
          %parallel_loop3A_146 = tpu.vector_load %arg14[%parallel_loop3A_144, %parallel_loop3A_145] {strides = array<i32>} : memref<64x128xf32, #tpu.memory_space<vmem>>, vector<1x16xf32>,
          %parallel_loop3A_147 = vector.shape_cast %parallel_loop3A_146 : vector<1x16xf32> to vector<16xf32>
          %parallel_loop3A_148 = arith.addf %parallel_loop3A_143, %parallel_loop3A_147 : vector<16xf32>
          %parallel_loop3A_149 = arith.index_cast %parallel_loop3A_93 : i32 to index
          %parallel_loop3A_150 = arith.constant 32 : index
          %parallel_loop3A_151 = tpu.vector_load %arg15[%parallel_loop3A_149, %parallel_loop3A_150] {strides = array<i32>} : memref<64x128xf32, #tpu.memory_space<vmem>>, vector<1x16xf32>,
          %parallel_loop3A_152 = vector.shape_cast %parallel_loop3A_151 : vector<1x16xf32> to vector<16xf32>
          %parallel_loop3A_153 = arith.addf %parallel_loop3A_148, %parallel_loop3A_152 : vector<16xf32>
          %parallel_loop3A_154 = arith.constant 0.00999999977 : f32
          %parallel_loop3A_155 = vector.broadcast %parallel_loop3A_154 : f32 to vector<16xf32>
          %parallel_loop3A_156 = arith.mulf %parallel_loop3A_153, %parallel_loop3A_155 : vector<16xf32>
          %parallel_loop3A_157 = arith.maximumf %parallel_loop3A_153, %parallel_loop3A_156 : vector<16xf32>
          %parallel_loop3A_158 = arith.index_cast %parallel_loop3A_93 : i32 to index
          %parallel_loop3A_159 = arith.constant 32 : index
          %parallel_loop3A_160 = tpu.vector_load %arg13[%parallel_loop3A_158, %parallel_loop3A_159] {strides = array<i32>} : memref<64x128xf32, #tpu.memory_space<vmem>>, vector<1x16xf32>,
          %parallel_loop3A_161 = vector.shape_cast %parallel_loop3A_160 : vector<1x16xf32> to vector<16xf32>
          %parallel_loop3A_162 = vector.shape_cast %parallel_loop3A_157 : vector<16xf32> to vector<1x16xf32>
          tpu.vector_store %arg13[%parallel_loop3A_158, %parallel_loop3A_159], %parallel_loop3A_162 {strides = array<i32>} : memref<64x128xf32, #tpu.memory_space<vmem>>, vector<1x16xf32>,
          %parallel_loop3A_163 = arith.index_cast %parallel_loop3A_93 : i32 to index
          %parallel_loop3A_164 = arith.constant 48 : index
          %parallel_loop3A_165 = tpu.vector_load %arg13[%parallel_loop3A_163, %parallel_loop3A_164] {strides = array<i32>} : memref<64x128xf32, #tpu.memory_space<vmem>>, vector<1x16xf32>,
          %parallel_loop3A_166 = vector.shape_cast %parallel_loop3A_165 : vector<1x16xf32> to vector<16xf32>
          %parallel_loop3A_167 = arith.index_cast %parallel_loop3A_93 : i32 to index
          %parallel_loop3A_168 = arith.constant 48 : index
          %parallel_loop3A_169 = tpu.vector_load %arg14[%parallel_loop3A_167, %parallel_loop3A_168] {strides = array<i32>} : memref<64x128xf32, #tpu.memory_space<vmem>>, vector<1x16xf32>,
          %parallel_loop3A_170 = vector.shape_cast %parallel_loop3A_169 : vector<1x16xf32> to vector<16xf32>
          %parallel_loop3A_171 = arith.addf %parallel_loop3A_166, %parallel_loop3A_170 : vector<16xf32>
          %parallel_loop3A_172 = arith.index_cast %parallel_loop3A_93 : i32 to index
          %parallel_loop3A_173 = arith.constant 48 : index
          %parallel_loop3A_174 = tpu.vector_load %arg15[%parallel_loop3A_172, %parallel_loop3A_173] {strides = array<i32>} : memref<64x128xf32, #tpu.memory_space<vmem>>, vector<1x16xf32>,
          %parallel_loop3A_175 = vector.shape_cast %parallel_loop3A_174 : vector<1x16xf32> to vector<16xf32>
          %parallel_loop3A_176 = arith.addf %parallel_loop3A_171, %parallel_loop3A_175 : vector<16xf32>
          %parallel_loop3A_177 = arith.constant 0.00999999977 : f32
          %parallel_loop3A_178 = vector.broadcast %parallel_loop3A_177 : f32 to vector<16xf32>
          %parallel_loop3A_179 = arith.mulf %parallel_loop3A_176, %parallel_loop3A_178 : vector<16xf32>
          %parallel_loop3A_180 = arith.maximumf %parallel_loop3A_176, %parallel_loop3A_179 : vector<16xf32>
          %parallel_loop3A_181 = arith.index_cast %parallel_loop3A_93 : i32 to index
          %parallel_loop3A_182 = arith.constant 48 : index
          %parallel_loop3A_183 = tpu.vector_load %arg13[%parallel_loop3A_181, %parallel_loop3A_182] {strides = array<i32>} : memref<64x128xf32, #tpu.memory_space<vmem>>, vector<1x16xf32>,
          %parallel_loop3A_184 = vector.shape_cast %parallel_loop3A_183 : vector<1x16xf32> to vector<16xf32>
          %parallel_loop3A_185 = vector.shape_cast %parallel_loop3A_180 : vector<16xf32> to vector<1x16xf32>
          tpu.vector_store %arg13[%parallel_loop3A_181, %parallel_loop3A_182], %parallel_loop3A_185 {strides = array<i32>} : memref<64x128xf32, #tpu.memory_space<vmem>>, vector<1x16xf32>,
          %parallel_loop3A_186 = arith.index_cast %parallel_loop3A_93 : i32 to index
          %parallel_loop3A_187 = arith.constant 64 : index
          %parallel_loop3A_188 = tpu.vector_load %arg13[%parallel_loop3A_186, %parallel_loop3A_187] {strides = array<i32>} : memref<64x128xf32, #tpu.memory_space<vmem>>, vector<1x16xf32>,
          %parallel_loop3A_189 = vector.shape_cast %parallel_loop3A_188 : vector<1x16xf32> to vector<16xf32>
          %parallel_loop3A_190 = arith.index_cast %parallel_loop3A_93 : i32 to index
          %parallel_loop3A_191 = arith.constant 64 : index
          %parallel_loop3A_192 = tpu.vector_load %arg14[%parallel_loop3A_190, %parallel_loop3A_191] {strides = array<i32>} : memref<64x128xf32, #tpu.memory_space<vmem>>, vector<1x16xf32>,
          %parallel_loop3A_193 = vector.shape_cast %parallel_loop3A_192 : vector<1x16xf32> to vector<16xf32>
          %parallel_loop3A_194 = arith.addf %parallel_loop3A_189, %parallel_loop3A_193 : vector<16xf32>
          %parallel_loop3A_195 = arith.index_cast %parallel_loop3A_93 : i32 to index
          %parallel_loop3A_196 = arith.constant 64 : index
          %parallel_loop3A_197 = tpu.vector_load %arg15[%parallel_loop3A_195, %parallel_loop3A_196] {strides = array<i32>} : memref<64x128xf32, #tpu.memory_space<vmem>>, vector<1x16xf32>,
          %parallel_loop3A_198 = vector.shape_cast %parallel_loop3A_197 : vector<1x16xf32> to vector<16xf32>
          %parallel_loop3A_199 = arith.addf %parallel_loop3A_194, %parallel_loop3A_198 : vector<16xf32>
          %parallel_loop3A_200 = arith.constant 0.00999999977 : f32
          %parallel_loop3A_201 = vector.broadcast %parallel_loop3A_200 : f32 to vector<16xf32>
          %parallel_loop3A_202 = arith.mulf %parallel_loop3A_199, %parallel_loop3A_201 : vector<16xf32>
          %parallel_loop3A_203 = arith.maximumf %parallel_loop3A_199, %parallel_loop3A_202 : vector<16xf32>
          %parallel_loop3A_204 = arith.index_cast %parallel_loop3A_93 : i32 to index
          %parallel_loop3A_205 = arith.constant 64 : index
          %parallel_loop3A_206 = tpu.vector_load %arg13[%parallel_loop3A_204, %parallel_loop3A_205] {strides = array<i32>} : memref<64x128xf32, #tpu.memory_space<vmem>>, vector<1x16xf32>,
          %parallel_loop3A_207 = vector.shape_cast %parallel_loop3A_206 : vector<1x16xf32> to vector<16xf32>
          %parallel_loop3A_208 = vector.shape_cast %parallel_loop3A_203 : vector<16xf32> to vector<1x16xf32>
          tpu.vector_store %arg13[%parallel_loop3A_204, %parallel_loop3A_205], %parallel_loop3A_208 {strides = array<i32>} : memref<64x128xf32, #tpu.memory_space<vmem>>, vector<1x16xf32>,
          %parallel_loop3A_209 = arith.index_cast %parallel_loop3A_93 : i32 to index
          %parallel_loop3A_210 = arith.constant 80 : index
          %parallel_loop3A_211 = tpu.vector_load %arg13[%parallel_loop3A_209, %parallel_loop3A_210] {strides = array<i32>} : memref<64x128xf32, #tpu.memory_space<vmem>>, vector<1x16xf32>,
          %parallel_loop3A_212 = vector.shape_cast %parallel_loop3A_211 : vector<1x16xf32> to vector<16xf32>
          %parallel_loop3A_213 = arith.index_cast %parallel_loop3A_93 : i32 to index
          %parallel_loop3A_214 = arith.constant 80 : index
          %parallel_loop3A_215 = tpu.vector_load %arg14[%parallel_loop3A_213, %parallel_loop3A_214] {strides = array<i32>} : memref<64x128xf32, #tpu.memory_space<vmem>>, vector<1x16xf32>,
          %parallel_loop3A_216 = vector.shape_cast %parallel_loop3A_215 : vector<1x16xf32> to vector<16xf32>
          %parallel_loop3A_217 = arith.addf %parallel_loop3A_212, %parallel_loop3A_216 : vector<16xf32>
          %parallel_loop3A_218 = arith.index_cast %parallel_loop3A_93 : i32 to index
          %parallel_loop3A_219 = arith.constant 80 : index
          %parallel_loop3A_220 = tpu.vector_load %arg15[%parallel_loop3A_218, %parallel_loop3A_219] {strides = array<i32>} : memref<64x128xf32, #tpu.memory_space<vmem>>, vector<1x16xf32>,
          %parallel_loop3A_221 = vector.shape_cast %parallel_loop3A_220 : vector<1x16xf32> to vector<16xf32>
          %parallel_loop3A_222 = arith.addf %parallel_loop3A_217, %parallel_loop3A_221 : vector<16xf32>
          %parallel_loop3A_223 = arith.constant 0.00999999977 : f32
          %parallel_loop3A_224 = vector.broadcast %parallel_loop3A_223 : f32 to vector<16xf32>
          %parallel_loop3A_225 = arith.mulf %parallel_loop3A_222, %parallel_loop3A_224 : vector<16xf32>
          %parallel_loop3A_226 = arith.maximumf %parallel_loop3A_222, %parallel_loop3A_225 : vector<16xf32>
          %parallel_loop3A_227 = arith.index_cast %parallel_loop3A_93 : i32 to index
          %parallel_loop3A_228 = arith.constant 80 : index
          %parallel_loop3A_229 = tpu.vector_load %arg13[%parallel_loop3A_227, %parallel_loop3A_228] {strides = array<i32>} : memref<64x128xf32, #tpu.memory_space<vmem>>, vector<1x16xf32>,
          %parallel_loop3A_230 = vector.shape_cast %parallel_loop3A_229 : vector<1x16xf32> to vector<16xf32>
          %parallel_loop3A_231 = vector.shape_cast %parallel_loop3A_226 : vector<16xf32> to vector<1x16xf32>
          tpu.vector_store %arg13[%parallel_loop3A_227, %parallel_loop3A_228], %parallel_loop3A_231 {strides = array<i32>} : memref<64x128xf32, #tpu.memory_space<vmem>>, vector<1x16xf32>,
          %parallel_loop3A_232 = arith.index_cast %parallel_loop3A_93 : i32 to index
          %parallel_loop3A_233 = arith.constant 96 : index
          %parallel_loop3A_234 = tpu.vector_load %arg13[%parallel_loop3A_232, %parallel_loop3A_233] {strides = array<i32>} : memref<64x128xf32, #tpu.memory_space<vmem>>, vector<1x16xf32>,
          %parallel_loop3A_235 = vector.shape_cast %parallel_loop3A_234 : vector<1x16xf32> to vector<16xf32>
          %parallel_loop3A_236 = arith.index_cast %parallel_loop3A_93 : i32 to index
          %parallel_loop3A_237 = arith.constant 96 : index
          %parallel_loop3A_238 = tpu.vector_load %arg14[%parallel_loop3A_236, %parallel_loop3A_237] {strides = array<i32>} : memref<64x128xf32, #tpu.memory_space<vmem>>, vector<1x16xf32>,
          %parallel_loop3A_239 = vector.shape_cast %parallel_loop3A_238 : vector<1x16xf32> to vector<16xf32>
          %parallel_loop3A_240 = arith.addf %parallel_loop3A_235, %parallel_loop3A_239 : vector<16xf32>
          %parallel_loop3A_241 = arith.index_cast %parallel_loop3A_93 : i32 to index
          %parallel_loop3A_242 = arith.constant 96 : index
          %parallel_loop3A_243 = tpu.vector_load %arg15[%parallel_loop3A_241, %parallel_loop3A_242] {strides = array<i32>} : memref<64x128xf32, #tpu.memory_space<vmem>>, vector<1x16xf32>,
          %parallel_loop3A_244 = vector.shape_cast %parallel_loop3A_243 : vector<1x16xf32> to vector<16xf32>
          %parallel_loop3A_245 = arith.addf %parallel_loop3A_240, %parallel_loop3A_244 : vector<16xf32>
          %parallel_loop3A_246 = arith.constant 0.00999999977 : f32
          %parallel_loop3A_247 = vector.broadcast %parallel_loop3A_246 : f32 to vector<16xf32>
          %parallel_loop3A_248 = arith.mulf %parallel_loop3A_245, %parallel_loop3A_247 : vector<16xf32>
          %parallel_loop3A_249 = arith.maximumf %parallel_loop3A_245, %parallel_loop3A_248 : vector<16xf32>
          %parallel_loop3A_250 = arith.index_cast %parallel_loop3A_93 : i32 to index
          %parallel_loop3A_251 = arith.constant 96 : index
          %parallel_loop3A_252 = tpu.vector_load %arg13[%parallel_loop3A_250, %parallel_loop3A_251] {strides = array<i32>} : memref<64x128xf32, #tpu.memory_space<vmem>>, vector<1x16xf32>,
          %parallel_loop3A_253 = vector.shape_cast %parallel_loop3A_252 : vector<1x16xf32> to vector<16xf32>
          %parallel_loop3A_254 = vector.shape_cast %parallel_loop3A_249 : vector<16xf32> to vector<1x16xf32>
          tpu.vector_store %arg13[%parallel_loop3A_250, %parallel_loop3A_251], %parallel_loop3A_254 {strides = array<i32>} : memref<64x128xf32, #tpu.memory_space<vmem>>, vector<1x16xf32>,
          %parallel_loop3A_255 = arith.index_cast %parallel_loop3A_93 : i32 to index
          %parallel_loop3A_256 = arith.constant 112 : index
          %parallel_loop3A_257 = tpu.vector_load %arg13[%parallel_loop3A_255, %parallel_loop3A_256] {strides = array<i32>} : memref<64x128xf32, #tpu.memory_space<vmem>>, vector<1x16xf32>,
          %parallel_loop3A_258 = vector.shape_cast %parallel_loop3A_257 : vector<1x16xf32> to vector<16xf32>
          %parallel_loop3A_259 = arith.index_cast %parallel_loop3A_93 : i32 to index
          %parallel_loop3A_260 = arith.constant 112 : index
          %parallel_loop3A_261 = tpu.vector_load %arg14[%parallel_loop3A_259, %parallel_loop3A_260] {strides = array<i32>} : memref<64x128xf32, #tpu.memory_space<vmem>>, vector<1x16xf32>,
          %parallel_loop3A_262 = vector.shape_cast %parallel_loop3A_261 : vector<1x16xf32> to vector<16xf32>
          %parallel_loop3A_263 = arith.addf %parallel_loop3A_258, %parallel_loop3A_262 : vector<16xf32>
          %parallel_loop3A_264 = arith.index_cast %parallel_loop3A_93 : i32 to index
          %parallel_loop3A_265 = arith.constant 112 : index
          %parallel_loop3A_266 = tpu.vector_load %arg15[%parallel_loop3A_264, %parallel_loop3A_265] {strides = array<i32>} : memref<64x128xf32, #tpu.memory_space<vmem>>, vector<1x16xf32>,
          %parallel_loop3A_267 = vector.shape_cast %parallel_loop3A_266 : vector<1x16xf32> to vector<16xf32>
          %parallel_loop3A_268 = arith.addf %parallel_loop3A_263, %parallel_loop3A_267 : vector<16xf32>
          %parallel_loop3A_269 = arith.constant 0.00999999977 : f32
          %parallel_loop3A_270 = vector.broadcast %parallel_loop3A_269 : f32 to vector<16xf32>
          %parallel_loop3A_271 = arith.mulf %parallel_loop3A_268, %parallel_loop3A_270 : vector<16xf32>
          %parallel_loop3A_272 = arith.maximumf %parallel_loop3A_268, %parallel_loop3A_271 : vector<16xf32>
          %parallel_loop3A_273 = arith.index_cast %parallel_loop3A_93 : i32 to index
          %parallel_loop3A_274 = arith.constant 112 : index
          %parallel_loop3A_275 = tpu.vector_load %arg13[%parallel_loop3A_273, %parallel_loop3A_274] {strides = array<i32>} : memref<64x128xf32, #tpu.memory_space<vmem>>, vector<1x16xf32>,
          %parallel_loop3A_276 = vector.shape_cast %parallel_loop3A_275 : vector<1x16xf32> to vector<16xf32>
          %parallel_loop3A_277 = vector.shape_cast %parallel_loop3A_272 : vector<16xf32> to vector<1x16xf32>
          tpu.vector_store %arg13[%parallel_loop3A_273, %parallel_loop3A_274], %parallel_loop3A_277 {strides = array<i32>} : memref<64x128xf32, #tpu.memory_space<vmem>>, vector<1x16xf32>,
        } {sc.loop_unroll_factor = 4 : i64, sc.parallel_access}
        "tpu.region"() ({
          %run_scoped3A = tpu.sem_alloc : memref<!tpu.dma_semaphore, #tpu.memory_space<semaphore_mem>>
          %dma_start3A_93 = arith.constant 0 : i32
          %dma_start3A_94 = tpu.memref_slice %arg12[%while3A_56, %dma_start3A_93] : memref<16x64xi32, #tpu.memory_space<vmem>> -> memref<1x64xi32, #tpu.memory_space<vmem>>
          %dma_start3A_95 = tpu.memref_squeeze %dma_start3A_94 : memref<1x64xi32, #tpu.memory_space<vmem>> -> memref<64xi32, #tpu.memory_space<vmem>>
          %dma_start3A_96 = arith.constant 0 : i32
          %dma_start3A_97 = arith.constant 0 : i32
          %dma_start3A_98 = tpu.memref_slice %arg16[%dma_start3A_96, %dma_start3A_97] : memref<10000x128xf32, #tpu.memory_space<vmem_shared>> -> memref<10000x128xf32, #tpu.memory_space<vmem_shared>>
          tpu.enqueue_indirect_dma source(%arg13 : memref<64x128xf32, #tpu.memory_space<vmem>>) target(%dma_start3A_98 : memref<10000x128xf32, #tpu.memory_space<vmem_shared>>) offsets(%dma_start3A_95 : memref<64xi32, #tpu.memory_space<vmem>>) semaphore(%run_scoped3A : memref<!tpu.dma_semaphore, #tpu.memory_space<semaphore_mem>>) {add = true}
          %dma_wait3A_99 = arith.constant 0 : i32
          %dma_wait3A_100 = tpu.memref_slice %arg12[%while3A_56, %dma_wait3A_99] : memref<16x64xi32, #tpu.memory_space<vmem>> -> memref<1x64xi32, #tpu.memory_space<vmem>>
          %dma_wait3A_101 = tpu.memref_squeeze %dma_wait3A_100 : memref<1x64xi32, #tpu.memory_space<vmem>> -> memref<64xi32, #tpu.memory_space<vmem>>
          %dma_wait3A_102 = arith.constant 0 : i32
          %dma_wait3A_103 = arith.constant 0 : i32
          %dma_wait3A_104 = tpu.memref_slice %arg16[%dma_wait3A_102, %dma_wait3A_103] : memref<10000x128xf32, #tpu.memory_space<vmem_shared>> -> memref<10000x128xf32, #tpu.memory_space<vmem_shared>>
          tpu.wait_indirect_dma semaphore(%run_scoped3A : memref<!tpu.dma_semaphore, #tpu.memory_space<semaphore_mem>>) src(%arg13 : memref<64x128xf32, #tpu.memory_space<vmem>>) dst(%dma_wait3A_104 : memref<10000x128xf32, #tpu.memory_space<vmem_shared>>)
          tpu.yield
        }) : () -> ()
      }
      %while3A_55 = arith.constant 1 : i32
      scf.for %while3A_56 = %while3A_53 to %while3A_49 step %while3A_55  : i32 {
        %add3A_57 = arith.addi %mul3A_38, %while3A_56 : i32
        %mul3A_58 = arith.constant 64 : i32
        %mul3A_59 = arith.muli %add3A_57, %mul3A_58 : i32
        %add3A_60 = arith.addi %select_n3A, %mul3A_59 : i32
        %dma_start3A = arith.constant 0 : i32
        %dma_start3A_61 = tpu.memref_slice %arg10[%while3A_56, %dma_start3A] : memref<16x64xi32, #tpu.memory_space<vmem>> -> memref<1x64xi32, #tpu.memory_space<vmem>>
        %dma_start3A_62 = tpu.memref_squeeze %dma_start3A_61 : memref<1x64xi32, #tpu.memory_space<vmem>> -> memref<64xi32, #tpu.memory_space<vmem>>
        %dma_start3A_63 = arith.constant 0 : i32
        %dma_start3A_64 = arith.constant 0 : i32
        %dma_start3A_65 = tpu.memref_slice %arg5[%dma_start3A_63, %dma_start3A_64] : memref<10000x128xf32, #tpu.memory_space<hbm>> -> memref<10000x128xf32, #tpu.memory_space<hbm>>
        tpu.enqueue_indirect_dma source(%dma_start3A_65 : memref<10000x128xf32, #tpu.memory_space<hbm>>) target(%arg13 : memref<64x128xf32, #tpu.memory_space<vmem>>) offsets(%dma_start3A_62 : memref<64xi32, #tpu.memory_space<vmem>>) semaphore(%arg17 : memref<!tpu.dma_semaphore, #tpu.memory_space<semaphore_mem>>)
        %dma_start3A_66 = arith.constant 0 : i32
        %dma_start3A_67 = tpu.memref_slice %arg11[%while3A_56, %dma_start3A_66] : memref<16x64xi32, #tpu.memory_space<vmem>> -> memref<1x64xi32, #tpu.memory_space<vmem>>
        %dma_start3A_68 = tpu.memref_squeeze %dma_start3A_67 : memref<1x64xi32, #tpu.memory_space<vmem>> -> memref<64xi32, #tpu.memory_space<vmem>>
        %dma_start3A_69 = arith.constant 0 : i32
        %dma_start3A_70 = arith.constant 0 : i32
        %dma_start3A_71 = tpu.memref_slice %arg6[%dma_start3A_69, %dma_start3A_70] : memref<10000x128xf32, #tpu.memory_space<hbm>> -> memref<10000x128xf32, #tpu.memory_space<hbm>>
        tpu.enqueue_indirect_dma source(%dma_start3A_71 : memref<10000x128xf32, #tpu.memory_space<hbm>>) target(%arg14 : memref<64x128xf32, #tpu.memory_space<vmem>>) offsets(%dma_start3A_68 : memref<64xi32, #tpu.memory_space<vmem>>) semaphore(%arg18 : memref<!tpu.dma_semaphore, #tpu.memory_space<semaphore_mem>>)
        %dma_start3A_72 = arith.constant 0 : i32
        %dma_start3A_73 = tpu.memref_slice %arg7[%add3A_60, %dma_start3A_72] : memref<320000x128xf32, #tpu.memory_space<hbm>> -> memref<64x128xf32, #tpu.memory_space<hbm>>
        %dma_start3A_74 = arith.constant 0 : i32
        %dma_start3A_75 = tpu.memref_slice %arg7[%add3A_60, %dma_start3A_74] : memref<320000x128xf32, #tpu.memory_space<hbm>> -> memref<64x128xf32, #tpu.memory_space<hbm>>
        tpu.enqueue_dma source(%dma_start3A_75 : memref<64x128xf32, #tpu.memory_space<hbm>>) target(%arg15 : memref<64x128xf32, #tpu.memory_space<vmem>>) target_semaphore(%arg19 : memref<!tpu.dma_semaphore, #tpu.memory_space<semaphore_mem>>)
        %dma_wait3A = arith.constant 0 : i32
        %dma_wait3A_76 = tpu.memref_slice %arg10[%while3A_56, %dma_wait3A] : memref<16x64xi32, #tpu.memory_space<vmem>> -> memref<1x64xi32, #tpu.memory_space<vmem>>
        %dma_wait3A_77 = tpu.memref_squeeze %dma_wait3A_76 : memref<1x64xi32, #tpu.memory_space<vmem>> -> memref<64xi32, #tpu.memory_space<vmem>>
        %dma_wait3A_78 = arith.constant 0 : i32
        %dma_wait3A_79 = arith.constant 0 : i32
        %dma_wait3A_80 = tpu.memref_slice %arg5[%dma_wait3A_78, %dma_wait3A_79] : memref<10000x128xf32, #tpu.memory_space<hbm>> -> memref<10000x128xf32, #tpu.memory_space<hbm>>
        tpu.wait_indirect_dma semaphore(%arg17 : memref<!tpu.dma_semaphore, #tpu.memory_space<semaphore_mem>>) src(%dma_wait3A_80 : memref<10000x128xf32, #tpu.memory_space<hbm>>) dst(%arg13 : memref<64x128xf32, #tpu.memory_space<vmem>>)
        %dma_wait3A_81 = arith.constant 0 : i32
        %dma_wait3A_82 = tpu.memref_slice %arg11[%while3A_56, %dma_wait3A_81] : memref<16x64xi32, #tpu.memory_space<vmem>> -> memref<1x64xi32, #tpu.memory_space<vmem>>
        %dma_wait3A_83 = tpu.memref_squeeze %dma_wait3A_82 : memref<1x64xi32, #tpu.memory_space<vmem>> -> memref<64xi32, #tpu.memory_space<vmem>>
        %dma_wait3A_84 = arith.constant 0 : i32
        %dma_wait3A_85 = arith.constant 0 : i32
        %dma_wait3A_86 = tpu.memref_slice %arg6[%dma_wait3A_84, %dma_wait3A_85] : memref<10000x128xf32, #tpu.memory_space<hbm>> -> memref<10000x128xf32, #tpu.memory_space<hbm>>
        tpu.wait_indirect_dma semaphore(%arg18 : memref<!tpu.dma_semaphore, #tpu.memory_space<semaphore_mem>>) src(%dma_wait3A_86 : memref<10000x128xf32, #tpu.memory_space<hbm>>) dst(%arg14 : memref<64x128xf32, #tpu.memory_space<vmem>>)
        %dma_wait3A_87 = arith.constant 0 : i32
        %dma_wait3A_88 = tpu.memref_slice %arg7[%add3A_60, %dma_wait3A_87] : memref<320000x128xf32, #tpu.memory_space<hbm>> -> memref<64x128xf32, #tpu.memory_space<hbm>>
        %dma_wait3A_89 = arith.constant 0 : i32
        %dma_wait3A_90 = tpu.memref_slice %arg7[%add3A_60, %dma_wait3A_89] : memref<320000x128xf32, #tpu.memory_space<hbm>> -> memref<64x128xf32, #tpu.memory_space<hbm>>
        tpu.wait_dma2 semaphore(%arg19 : memref<!tpu.dma_semaphore, #tpu.memory_space<semaphore_mem>>) src(%dma_wait3A_90 : memref<64x128xf32, #tpu.memory_space<hbm>>) dst(%arg15 : memref<64x128xf32, #tpu.memory_space<vmem>>)
        %parallel_loop3A = arith.constant 0 : i32
        %parallel_loop3A_91 = arith.constant 64 : i32
        %parallel_loop3A_92 = arith.constant 1 : i32
        scf.for %parallel_loop3A_93 = %parallel_loop3A to %parallel_loop3A_91 step %parallel_loop3A_92  : i32 {
          %parallel_loop3A_94 = arith.index_cast %parallel_loop3A_93 : i32 to index
          %parallel_loop3A_95 = arith.constant 0 : index
          %parallel_loop3A_96 = tpu.vector_load %arg13[%parallel_loop3A_94, %parallel_loop3A_95] {strides = array<i32>} : memref<64x128xf32, #tpu.memory_space<vmem>>, vector<1x16xf32>,
          %parallel_loop3A_97 = vector.shape_cast %parallel_loop3A_96 : vector<1x16xf32> to vector<16xf32>
          %parallel_loop3A_98 = arith.index_cast %parallel_loop3A_93 : i32 to index
          %parallel_loop3A_99 = arith.constant 0 : index
          %parallel_loop3A_100 = tpu.vector_load %arg14[%parallel_loop3A_98, %parallel_loop3A_99] {strides = array<i32>} : memref<64x128xf32, #tpu.memory_space<vmem>>, vector<1x16xf32>,
          %parallel_loop3A_101 = vector.shape_cast %parallel_loop3A_100 : vector<1x16xf32> to vector<16xf32>
          %parallel_loop3A_102 = arith.addf %parallel_loop3A_97, %parallel_loop3A_101 : vector<16xf32>
          %parallel_loop3A_103 = arith.index_cast %parallel_loop3A_93 : i32 to index
          %parallel_loop3A_104 = arith.constant 0 : index
          %parallel_loop3A_105 = tpu.vector_load %arg15[%parallel_loop3A_103, %parallel_loop3A_104] {strides = array<i32>} : memref<64x128xf32, #tpu.memory_space<vmem>>, vector<1x16xf32>,
          %parallel_loop3A_106 = vector.shape_cast %parallel_loop3A_105 : vector<1x16xf32> to vector<16xf32>
          %parallel_loop3A_107 = arith.addf %parallel_loop3A_102, %parallel_loop3A_106 : vector<16xf32>
          %parallel_loop3A_108 = arith.constant 0.00999999977 : f32
          %parallel_loop3A_109 = vector.broadcast %parallel_loop3A_108 : f32 to vector<16xf32>
          %parallel_loop3A_110 = arith.mulf %parallel_loop3A_107, %parallel_loop3A_109 : vector<16xf32>
          %parallel_loop3A_111 = arith.maximumf %parallel_loop3A_107, %parallel_loop3A_110 : vector<16xf32>
          %parallel_loop3A_112 = arith.index_cast %parallel_loop3A_93 : i32 to index
          %parallel_loop3A_113 = arith.constant 0 : index
          %parallel_loop3A_114 = tpu.vector_load %arg13[%parallel_loop3A_112, %parallel_loop3A_113] {strides = array<i32>} : memref<64x128xf32, #tpu.memory_space<vmem>>, vector<1x16xf32>,
          %parallel_loop3A_115 = vector.shape_cast %parallel_loop3A_114 : vector<1x16xf32> to vector<16xf32>
          %parallel_loop3A_116 = vector.shape_cast %parallel_loop3A_111 : vector<16xf32> to vector<1x16xf32>
          tpu.vector_store %arg13[%parallel_loop3A_112, %parallel_loop3A_113], %parallel_loop3A_116 {strides = array<i32>} : memref<64x128xf32, #tpu.memory_space<vmem>>, vector<1x16xf32>,
          %parallel_loop3A_117 = arith.index_cast %parallel_loop3A_93 : i32 to index
          %parallel_loop3A_118 = arith.constant 16 : index
          %parallel_loop3A_119 = tpu.vector_load %arg13[%parallel_loop3A_117, %parallel_loop3A_118] {strides = array<i32>} : memref<64x128xf32, #tpu.memory_space<vmem>>, vector<1x16xf32>,
          %parallel_loop3A_120 = vector.shape_cast %parallel_loop3A_119 : vector<1x16xf32> to vector<16xf32>
          %parallel_loop3A_121 = arith.index_cast %parallel_loop3A_93 : i32 to index
          %parallel_loop3A_122 = arith.constant 16 : index
          %parallel_loop3A_123 = tpu.vector_load %arg14[%parallel_loop3A_121, %parallel_loop3A_122] {strides = array<i32>} : memref<64x128xf32, #tpu.memory_space<vmem>>, vector<1x16xf32>,
          %parallel_loop3A_124 = vector.shape_cast %parallel_loop3A_123 : vector<1x16xf32> to vector<16xf32>
          %parallel_loop3A_125 = arith.addf %parallel_loop3A_120, %parallel_loop3A_124 : vector<16xf32>
          %parallel_loop3A_126 = arith.index_cast %parallel_loop3A_93 : i32 to index
          %parallel_loop3A_127 = arith.constant 16 : index
          %parallel_loop3A_128 = tpu.vector_load %arg15[%parallel_loop3A_126, %parallel_loop3A_127] {strides = array<i32>} : memref<64x128xf32, #tpu.memory_space<vmem>>, vector<1x16xf32>,
          %parallel_loop3A_129 = vector.shape_cast %parallel_loop3A_128 : vector<1x16xf32> to vector<16xf32>
          %parallel_loop3A_130 = arith.addf %parallel_loop3A_125, %parallel_loop3A_129 : vector<16xf32>
          %parallel_loop3A_131 = arith.constant 0.00999999977 : f32
          %parallel_loop3A_132 = vector.broadcast %parallel_loop3A_131 : f32 to vector<16xf32>
          %parallel_loop3A_133 = arith.mulf %parallel_loop3A_130, %parallel_loop3A_132 : vector<16xf32>
          %parallel_loop3A_134 = arith.maximumf %parallel_loop3A_130, %parallel_loop3A_133 : vector<16xf32>
          %parallel_loop3A_135 = arith.index_cast %parallel_loop3A_93 : i32 to index
          %parallel_loop3A_136 = arith.constant 16 : index
          %parallel_loop3A_137 = tpu.vector_load %arg13[%parallel_loop3A_135, %parallel_loop3A_136] {strides = array<i32>} : memref<64x128xf32, #tpu.memory_space<vmem>>, vector<1x16xf32>,
          %parallel_loop3A_138 = vector.shape_cast %parallel_loop3A_137 : vector<1x16xf32> to vector<16xf32>
          %parallel_loop3A_139 = vector.shape_cast %parallel_loop3A_134 : vector<16xf32> to vector<1x16xf32>
          tpu.vector_store %arg13[%parallel_loop3A_135, %parallel_loop3A_136], %parallel_loop3A_139 {strides = array<i32>} : memref<64x128xf32, #tpu.memory_space<vmem>>, vector<1x16xf32>,
          %parallel_loop3A_140 = arith.index_cast %parallel_loop3A_93 : i32 to index
          %parallel_loop3A_141 = arith.constant 32 : index
          %parallel_loop3A_142 = tpu.vector_load %arg13[%parallel_loop3A_140, %parallel_loop3A_141] {strides = array<i32>} : memref<64x128xf32, #tpu.memory_space<vmem>>, vector<1x16xf32>,
          %parallel_loop3A_143 = vector.shape_cast %parallel_loop3A_142 : vector<1x16xf32> to vector<16xf32>
          %parallel_loop3A_144 = arith.index_cast %parallel_loop3A_93 : i32 to index
          %parallel_loop3A_145 = arith.constant 32 : index
          %parallel_loop3A_146 = tpu.vector_load %arg14[%parallel_loop3A_144, %parallel_loop3A_145] {strides = array<i32>} : memref<64x128xf32, #tpu.memory_space<vmem>>, vector<1x16xf32>,
          %parallel_loop3A_147 = vector.shape_cast %parallel_loop3A_146 : vector<1x16xf32> to vector<16xf32>
          %parallel_loop3A_148 = arith.addf %parallel_loop3A_143, %parallel_loop3A_147 : vector<16xf32>
          %parallel_loop3A_149 = arith.index_cast %parallel_loop3A_93 : i32 to index
          %parallel_loop3A_150 = arith.constant 32 : index
          %parallel_loop3A_151 = tpu.vector_load %arg15[%parallel_loop3A_149, %parallel_loop3A_150] {strides = array<i32>} : memref<64x128xf32, #tpu.memory_space<vmem>>, vector<1x16xf32>,
          %parallel_loop3A_152 = vector.shape_cast %parallel_loop3A_151 : vector<1x16xf32> to vector<16xf32>
          %parallel_loop3A_153 = arith.addf %parallel_loop3A_148, %parallel_loop3A_152 : vector<16xf32>
          %parallel_loop3A_154 = arith.constant 0.00999999977 : f32
          %parallel_loop3A_155 = vector.broadcast %parallel_loop3A_154 : f32 to vector<16xf32>
          %parallel_loop3A_156 = arith.mulf %parallel_loop3A_153, %parallel_loop3A_155 : vector<16xf32>
          %parallel_loop3A_157 = arith.maximumf %parallel_loop3A_153, %parallel_loop3A_156 : vector<16xf32>
          %parallel_loop3A_158 = arith.index_cast %parallel_loop3A_93 : i32 to index
          %parallel_loop3A_159 = arith.constant 32 : index
          %parallel_loop3A_160 = tpu.vector_load %arg13[%parallel_loop3A_158, %parallel_loop3A_159] {strides = array<i32>} : memref<64x128xf32, #tpu.memory_space<vmem>>, vector<1x16xf32>,
          %parallel_loop3A_161 = vector.shape_cast %parallel_loop3A_160 : vector<1x16xf32> to vector<16xf32>
          %parallel_loop3A_162 = vector.shape_cast %parallel_loop3A_157 : vector<16xf32> to vector<1x16xf32>
          tpu.vector_store %arg13[%parallel_loop3A_158, %parallel_loop3A_159], %parallel_loop3A_162 {strides = array<i32>} : memref<64x128xf32, #tpu.memory_space<vmem>>, vector<1x16xf32>,
          %parallel_loop3A_163 = arith.index_cast %parallel_loop3A_93 : i32 to index
          %parallel_loop3A_164 = arith.constant 48 : index
          %parallel_loop3A_165 = tpu.vector_load %arg13[%parallel_loop3A_163, %parallel_loop3A_164] {strides = array<i32>} : memref<64x128xf32, #tpu.memory_space<vmem>>, vector<1x16xf32>,
          %parallel_loop3A_166 = vector.shape_cast %parallel_loop3A_165 : vector<1x16xf32> to vector<16xf32>
          %parallel_loop3A_167 = arith.index_cast %parallel_loop3A_93 : i32 to index
          %parallel_loop3A_168 = arith.constant 48 : index
          %parallel_loop3A_169 = tpu.vector_load %arg14[%parallel_loop3A_167, %parallel_loop3A_168] {strides = array<i32>} : memref<64x128xf32, #tpu.memory_space<vmem>>, vector<1x16xf32>,
          %parallel_loop3A_170 = vector.shape_cast %parallel_loop3A_169 : vector<1x16xf32> to vector<16xf32>
          %parallel_loop3A_171 = arith.addf %parallel_loop3A_166, %parallel_loop3A_170 : vector<16xf32>
          %parallel_loop3A_172 = arith.index_cast %parallel_loop3A_93 : i32 to index
          %parallel_loop3A_173 = arith.constant 48 : index
          %parallel_loop3A_174 = tpu.vector_load %arg15[%parallel_loop3A_172, %parallel_loop3A_173] {strides = array<i32>} : memref<64x128xf32, #tpu.memory_space<vmem>>, vector<1x16xf32>,
          %parallel_loop3A_175 = vector.shape_cast %parallel_loop3A_174 : vector<1x16xf32> to vector<16xf32>
          %parallel_loop3A_176 = arith.addf %parallel_loop3A_171, %parallel_loop3A_175 : vector<16xf32>
          %parallel_loop3A_177 = arith.constant 0.00999999977 : f32
          %parallel_loop3A_178 = vector.broadcast %parallel_loop3A_177 : f32 to vector<16xf32>
          %parallel_loop3A_179 = arith.mulf %parallel_loop3A_176, %parallel_loop3A_178 : vector<16xf32>
          %parallel_loop3A_180 = arith.maximumf %parallel_loop3A_176, %parallel_loop3A_179 : vector<16xf32>
          %parallel_loop3A_181 = arith.index_cast %parallel_loop3A_93 : i32 to index
          %parallel_loop3A_182 = arith.constant 48 : index
          %parallel_loop3A_183 = tpu.vector_load %arg13[%parallel_loop3A_181, %parallel_loop3A_182] {strides = array<i32>} : memref<64x128xf32, #tpu.memory_space<vmem>>, vector<1x16xf32>,
          %parallel_loop3A_184 = vector.shape_cast %parallel_loop3A_183 : vector<1x16xf32> to vector<16xf32>
          %parallel_loop3A_185 = vector.shape_cast %parallel_loop3A_180 : vector<16xf32> to vector<1x16xf32>
          tpu.vector_store %arg13[%parallel_loop3A_181, %parallel_loop3A_182], %parallel_loop3A_185 {strides = array<i32>} : memref<64x128xf32, #tpu.memory_space<vmem>>, vector<1x16xf32>,
          %parallel_loop3A_186 = arith.index_cast %parallel_loop3A_93 : i32 to index
          %parallel_loop3A_187 = arith.constant 64 : index
          %parallel_loop3A_188 = tpu.vector_load %arg13[%parallel_loop3A_186, %parallel_loop3A_187] {strides = array<i32>} : memref<64x128xf32, #tpu.memory_space<vmem>>, vector<1x16xf32>,
          %parallel_loop3A_189 = vector.shape_cast %parallel_loop3A_188 : vector<1x16xf32> to vector<16xf32>
          %parallel_loop3A_190 = arith.index_cast %parallel_loop3A_93 : i32 to index
          %parallel_loop3A_191 = arith.constant 64 : index
          %parallel_loop3A_192 = tpu.vector_load %arg14[%parallel_loop3A_190, %parallel_loop3A_191] {strides = array<i32>} : memref<64x128xf32, #tpu.memory_space<vmem>>, vector<1x16xf32>,
          %parallel_loop3A_193 = vector.shape_cast %parallel_loop3A_192 : vector<1x16xf32> to vector<16xf32>
          %parallel_loop3A_194 = arith.addf %parallel_loop3A_189, %parallel_loop3A_193 : vector<16xf32>
          %parallel_loop3A_195 = arith.index_cast %parallel_loop3A_93 : i32 to index
          %parallel_loop3A_196 = arith.constant 64 : index
          %parallel_loop3A_197 = tpu.vector_load %arg15[%parallel_loop3A_195, %parallel_loop3A_196] {strides = array<i32>} : memref<64x128xf32, #tpu.memory_space<vmem>>, vector<1x16xf32>,
          %parallel_loop3A_198 = vector.shape_cast %parallel_loop3A_197 : vector<1x16xf32> to vector<16xf32>
          %parallel_loop3A_199 = arith.addf %parallel_loop3A_194, %parallel_loop3A_198 : vector<16xf32>
          %parallel_loop3A_200 = arith.constant 0.00999999977 : f32
          %parallel_loop3A_201 = vector.broadcast %parallel_loop3A_200 : f32 to vector<16xf32>
          %parallel_loop3A_202 = arith.mulf %parallel_loop3A_199, %parallel_loop3A_201 : vector<16xf32>
          %parallel_loop3A_203 = arith.maximumf %parallel_loop3A_199, %parallel_loop3A_202 : vector<16xf32>
          %parallel_loop3A_204 = arith.index_cast %parallel_loop3A_93 : i32 to index
          %parallel_loop3A_205 = arith.constant 64 : index
          %parallel_loop3A_206 = tpu.vector_load %arg13[%parallel_loop3A_204, %parallel_loop3A_205] {strides = array<i32>} : memref<64x128xf32, #tpu.memory_space<vmem>>, vector<1x16xf32>,
          %parallel_loop3A_207 = vector.shape_cast %parallel_loop3A_206 : vector<1x16xf32> to vector<16xf32>
          %parallel_loop3A_208 = vector.shape_cast %parallel_loop3A_203 : vector<16xf32> to vector<1x16xf32>
          tpu.vector_store %arg13[%parallel_loop3A_204, %parallel_loop3A_205], %parallel_loop3A_208 {strides = array<i32>} : memref<64x128xf32, #tpu.memory_space<vmem>>, vector<1x16xf32>,
          %parallel_loop3A_209 = arith.index_cast %parallel_loop3A_93 : i32 to index
          %parallel_loop3A_210 = arith.constant 80 : index
          %parallel_loop3A_211 = tpu.vector_load %arg13[%parallel_loop3A_209, %parallel_loop3A_210] {strides = array<i32>} : memref<64x128xf32, #tpu.memory_space<vmem>>, vector<1x16xf32>,
          %parallel_loop3A_212 = vector.shape_cast %parallel_loop3A_211 : vector<1x16xf32> to vector<16xf32>
          %parallel_loop3A_213 = arith.index_cast %parallel_loop3A_93 : i32 to index
          %parallel_loop3A_214 = arith.constant 80 : index
          %parallel_loop3A_215 = tpu.vector_load %arg14[%parallel_loop3A_213, %parallel_loop3A_214] {strides = array<i32>} : memref<64x128xf32, #tpu.memory_space<vmem>>, vector<1x16xf32>,
          %parallel_loop3A_216 = vector.shape_cast %parallel_loop3A_215 : vector<1x16xf32> to vector<16xf32>
          %parallel_loop3A_217 = arith.addf %parallel_loop3A_212, %parallel_loop3A_216 : vector<16xf32>
          %parallel_loop3A_218 = arith.index_cast %parallel_loop3A_93 : i32 to index
          %parallel_loop3A_219 = arith.constant 80 : index
          %parallel_loop3A_220 = tpu.vector_load %arg15[%parallel_loop3A_218, %parallel_loop3A_219] {strides = array<i32>} : memref<64x128xf32, #tpu.memory_space<vmem>>, vector<1x16xf32>,
          %parallel_loop3A_221 = vector.shape_cast %parallel_loop3A_220 : vector<1x16xf32> to vector<16xf32>
          %parallel_loop3A_222 = arith.addf %parallel_loop3A_217, %parallel_loop3A_221 : vector<16xf32>
          %parallel_loop3A_223 = arith.constant 0.00999999977 : f32
          %parallel_loop3A_224 = vector.broadcast %parallel_loop3A_223 : f32 to vector<16xf32>
          %parallel_loop3A_225 = arith.mulf %parallel_loop3A_222, %parallel_loop3A_224 : vector<16xf32>
          %parallel_loop3A_226 = arith.maximumf %parallel_loop3A_222, %parallel_loop3A_225 : vector<16xf32>
          %parallel_loop3A_227 = arith.index_cast %parallel_loop3A_93 : i32 to index
          %parallel_loop3A_228 = arith.constant 80 : index
          %parallel_loop3A_229 = tpu.vector_load %arg13[%parallel_loop3A_227, %parallel_loop3A_228] {strides = array<i32>} : memref<64x128xf32, #tpu.memory_space<vmem>>, vector<1x16xf32>,
          %parallel_loop3A_230 = vector.shape_cast %parallel_loop3A_229 : vector<1x16xf32> to vector<16xf32>
          %parallel_loop3A_231 = vector.shape_cast %parallel_loop3A_226 : vector<16xf32> to vector<1x16xf32>
          tpu.vector_store %arg13[%parallel_loop3A_227, %parallel_loop3A_228], %parallel_loop3A_231 {strides = array<i32>} : memref<64x128xf32, #tpu.memory_space<vmem>>, vector<1x16xf32>,
          %parallel_loop3A_232 = arith.index_cast %parallel_loop3A_93 : i32 to index
          %parallel_loop3A_233 = arith.constant 96 : index
          %parallel_loop3A_234 = tpu.vector_load %arg13[%parallel_loop3A_232, %parallel_loop3A_233] {strides = array<i32>} : memref<64x128xf32, #tpu.memory_space<vmem>>, vector<1x16xf32>,
          %parallel_loop3A_235 = vector.shape_cast %parallel_loop3A_234 : vector<1x16xf32> to vector<16xf32>
          %parallel_loop3A_236 = arith.index_cast %parallel_loop3A_93 : i32 to index
          %parallel_loop3A_237 = arith.constant 96 : index
          %parallel_loop3A_238 = tpu.vector_load %arg14[%parallel_loop3A_236, %parallel_loop3A_237] {strides = array<i32>} : memref<64x128xf32, #tpu.memory_space<vmem>>, vector<1x16xf32>,
          %parallel_loop3A_239 = vector.shape_cast %parallel_loop3A_238 : vector<1x16xf32> to vector<16xf32>
          %parallel_loop3A_240 = arith.addf %parallel_loop3A_235, %parallel_loop3A_239 : vector<16xf32>
          %parallel_loop3A_241 = arith.index_cast %parallel_loop3A_93 : i32 to index
          %parallel_loop3A_242 = arith.constant 96 : index
          %parallel_loop3A_243 = tpu.vector_load %arg15[%parallel_loop3A_241, %parallel_loop3A_242] {strides = array<i32>} : memref<64x128xf32, #tpu.memory_space<vmem>>, vector<1x16xf32>,
          %parallel_loop3A_244 = vector.shape_cast %parallel_loop3A_243 : vector<1x16xf32> to vector<16xf32>
          %parallel_loop3A_245 = arith.addf %parallel_loop3A_240, %parallel_loop3A_244 : vector<16xf32>
          %parallel_loop3A_246 = arith.constant 0.00999999977 : f32
          %parallel_loop3A_247 = vector.broadcast %parallel_loop3A_246 : f32 to vector<16xf32>
          %parallel_loop3A_248 = arith.mulf %parallel_loop3A_245, %parallel_loop3A_247 : vector<16xf32>
          %parallel_loop3A_249 = arith.maximumf %parallel_loop3A_245, %parallel_loop3A_248 : vector<16xf32>
          %parallel_loop3A_250 = arith.index_cast %parallel_loop3A_93 : i32 to index
          %parallel_loop3A_251 = arith.constant 96 : index
          %parallel_loop3A_252 = tpu.vector_load %arg13[%parallel_loop3A_250, %parallel_loop3A_251] {strides = array<i32>} : memref<64x128xf32, #tpu.memory_space<vmem>>, vector<1x16xf32>,
          %parallel_loop3A_253 = vector.shape_cast %parallel_loop3A_252 : vector<1x16xf32> to vector<16xf32>
          %parallel_loop3A_254 = vector.shape_cast %parallel_loop3A_249 : vector<16xf32> to vector<1x16xf32>
          tpu.vector_store %arg13[%parallel_loop3A_250, %parallel_loop3A_251], %parallel_loop3A_254 {strides = array<i32>} : memref<64x128xf32, #tpu.memory_space<vmem>>, vector<1x16xf32>,
          %parallel_loop3A_255 = arith.index_cast %parallel_loop3A_93 : i32 to index
          %parallel_loop3A_256 = arith.constant 112 : index
          %parallel_loop3A_257 = tpu.vector_load %arg13[%parallel_loop3A_255, %parallel_loop3A_256] {strides = array<i32>} : memref<64x128xf32, #tpu.memory_space<vmem>>, vector<1x16xf32>,
          %parallel_loop3A_258 = vector.shape_cast %parallel_loop3A_257 : vector<1x16xf32> to vector<16xf32>
          %parallel_loop3A_259 = arith.index_cast %parallel_loop3A_93 : i32 to index
          %parallel_loop3A_260 = arith.constant 112 : index
          %parallel_loop3A_261 = tpu.vector_load %arg14[%parallel_loop3A_259, %parallel_loop3A_260] {strides = array<i32>} : memref<64x128xf32, #tpu.memory_space<vmem>>, vector<1x16xf32>,
          %parallel_loop3A_262 = vector.shape_cast %parallel_loop3A_261 : vector<1x16xf32> to vector<16xf32>
          %parallel_loop3A_263 = arith.addf %parallel_loop3A_258, %parallel_loop3A_262 : vector<16xf32>
          %parallel_loop3A_264 = arith.index_cast %parallel_loop3A_93 : i32 to index
          %parallel_loop3A_265 = arith.constant 112 : index
          %parallel_loop3A_266 = tpu.vector_load %arg15[%parallel_loop3A_264, %parallel_loop3A_265] {strides = array<i32>} : memref<64x128xf32, #tpu.memory_space<vmem>>, vector<1x16xf32>,
          %parallel_loop3A_267 = vector.shape_cast %parallel_loop3A_266 : vector<1x16xf32> to vector<16xf32>
          %parallel_loop3A_268 = arith.addf %parallel_loop3A_263, %parallel_loop3A_267 : vector<16xf32>
          %parallel_loop3A_269 = arith.constant 0.00999999977 : f32
          %parallel_loop3A_270 = vector.broadcast %parallel_loop3A_269 : f32 to vector<16xf32>
          %parallel_loop3A_271 = arith.mulf %parallel_loop3A_268, %parallel_loop3A_270 : vector<16xf32>
          %parallel_loop3A_272 = arith.maximumf %parallel_loop3A_268, %parallel_loop3A_271 : vector<16xf32>
          %parallel_loop3A_273 = arith.index_cast %parallel_loop3A_93 : i32 to index
          %parallel_loop3A_274 = arith.constant 112 : index
          %parallel_loop3A_275 = tpu.vector_load %arg13[%parallel_loop3A_273, %parallel_loop3A_274] {strides = array<i32>} : memref<64x128xf32, #tpu.memory_space<vmem>>, vector<1x16xf32>,
          %parallel_loop3A_276 = vector.shape_cast %parallel_loop3A_275 : vector<1x16xf32> to vector<16xf32>
          %parallel_loop3A_277 = vector.shape_cast %parallel_loop3A_272 : vector<16xf32> to vector<1x16xf32>
          tpu.vector_store %arg13[%parallel_loop3A_273, %parallel_loop3A_274], %parallel_loop3A_277 {strides = array<i32>} : memref<64x128xf32, #tpu.memory_space<vmem>>, vector<1x16xf32>,
        } {sc.loop_unroll_factor = 4 : i64, sc.parallel_access}
        "tpu.region"() ({
          %run_scoped3A = tpu.sem_alloc : memref<!tpu.dma_semaphore, #tpu.memory_space<semaphore_mem>>
          %dma_start3A_93 = arith.constant 0 : i32
          %dma_start3A_94 = tpu.memref_slice %arg12[%while3A_56, %dma_start3A_93] : memref<16x64xi32, #tpu.memory_space<vmem>> -> memref<1x64xi32, #tpu.memory_space<vmem>>
          %dma_start3A_95 = tpu.memref_squeeze %dma_start3A_94 : memref<1x64xi32, #tpu.memory_space<vmem>> -> memref<64xi32, #tpu.memory_space<vmem>>
          %dma_start3A_96 = arith.constant 0 : i32
          %dma_start3A_97 = arith.constant 0 : i32
          %dma_start3A_98 = tpu.memref_slice %arg16[%dma_start3A_96, %dma_start3A_97] : memref<10000x128xf32, #tpu.memory_space<vmem_shared>> -> memref<10000x128xf32, #tpu.memory_space<vmem_shared>>
          tpu.enqueue_indirect_dma source(%arg13 : memref<64x128xf32, #tpu.memory_space<vmem>>) target(%dma_start3A_98 : memref<10000x128xf32, #tpu.memory_space<vmem_shared>>) offsets(%dma_start3A_95 : memref<64xi32, #tpu.memory_space<vmem>>) semaphore(%run_scoped3A : memref<!tpu.dma_semaphore, #tpu.memory_space<semaphore_mem>>) {add = true}
          %dma_wait3A_99 = arith.constant 0 : i32
          %dma_wait3A_100 = tpu.memref_slice %arg12[%while3A_56, %dma_wait3A_99] : memref<16x64xi32, #tpu.memory_space<vmem>> -> memref<1x64xi32, #tpu.memory_space<vmem>>
          %dma_wait3A_101 = tpu.memref_squeeze %dma_wait3A_100 : memref<1x64xi32, #tpu.memory_space<vmem>> -> memref<64xi32, #tpu.memory_space<vmem>>
          %dma_wait3A_102 = arith.constant 0 : i32
          %dma_wait3A_103 = arith.constant 0 : i32
          %dma_wait3A_104 = tpu.memref_slice %arg16[%dma_wait3A_102, %dma_wait3A_103] : memref<10000x128xf32, #tpu.memory_space<vmem_shared>> -> memref<10000x128xf32, #tpu.memory_space<vmem_shared>>
          tpu.wait_indirect_dma semaphore(%run_scoped3A : memref<!tpu.dma_semaphore, #tpu.memory_space<semaphore_mem>>) src(%arg13 : memref<64x128xf32, #tpu.memory_space<vmem>>) dst(%dma_wait3A_104 : memref<10000x128xf32, #tpu.memory_space<vmem_shared>>)
          tpu.yield
        }) : () -> ()
      }
    }
    %scan3A_25 = arith.constant 10 : i32
    %barrier3A_26 = arith.constant 0 : index
    tpu.barrier barrier_id(%barrier3A_26)
    %mul3A_27 = arith.constant 624 : i32
    %mul3A_28 = arith.muli %arg1, %mul3A_27 : i32
    %lt3A_29 = arith.constant 15 : i32
    %lt3A_30 = arith.cmpi slt, %arg1, %lt3A_29 : i32
    %convert_element_type3A = arith.extui %lt3A_30 : i1 to i32
    %cond3A = arith.constant 0 : i32
    %cond3A_31 = arith.cmpi ne, %convert_element_type3A, %cond3A : i32
    scf.if %cond3A_31 {
      "tpu.region"() ({
        %run_scoped3A = tpu.sem_alloc : memref<!tpu.dma_semaphore, #tpu.memory_space<semaphore_mem>>
        %dma_start3A = arith.constant 0 : i32
        %dma_start3A_36 = tpu.memref_slice %arg9[%arg0, %mul3A_28, %dma_start3A] : memref<2x10000x128xf32, #tpu.memory_space<hbm>> -> memref<1x624x128xf32, #tpu.memory_space<hbm>>
        %dma_start3A_37 = tpu.memref_squeeze %dma_start3A_36 : memref<1x624x128xf32, #tpu.memory_space<hbm>> -> memref<624x128xf32, #tpu.memory_space<hbm>>
        %dma_start3A_38 = arith.constant 0 : i32
        %dma_start3A_39 = tpu.memref_slice %arg16[%mul3A_28, %dma_start3A_38] : memref<10000x128xf32, #tpu.memory_space<vmem_shared>> -> memref<624x128xf32, #tpu.memory_space<vmem_shared>>
        tpu.enqueue_dma source(%dma_start3A_39 : memref<624x128xf32, #tpu.memory_space<vmem_shared>>) target(%dma_start3A_37 : memref<624x128xf32, #tpu.memory_space<hbm>>) target_semaphore(%run_scoped3A : memref<!tpu.dma_semaphore, #tpu.memory_space<semaphore_mem>>)
        %dma_wait3A = arith.constant 0 : i32
        %dma_wait3A_40 = tpu.memref_slice %arg9[%arg0, %mul3A_28, %dma_wait3A] : memref<2x10000x128xf32, #tpu.memory_space<hbm>> -> memref<1x624x128xf32, #tpu.memory_space<hbm>>
        %dma_wait3A_41 = tpu.memref_squeeze %dma_wait3A_40 : memref<1x624x128xf32, #tpu.memory_space<hbm>> -> memref<624x128xf32, #tpu.memory_space<hbm>>
        %dma_wait3A_42 = arith.constant 0 : i32
        %dma_wait3A_43 = tpu.memref_slice %arg16[%mul3A_28, %dma_wait3A_42] : memref<10000x128xf32, #tpu.memory_space<vmem_shared>> -> memref<624x128xf32, #tpu.memory_space<vmem_shared>>
        tpu.wait_dma2 semaphore(%run_scoped3A : memref<!tpu.dma_semaphore, #tpu.memory_space<semaphore_mem>>) src(%dma_wait3A_43 : memref<624x128xf32, #tpu.memory_space<vmem_shared>>) dst(%dma_wait3A_41 : memref<624x128xf32, #tpu.memory_space<hbm>>)
        tpu.yield
      }) : () -> ()
    } else {
    }
    %eq3A = arith.constant 15 : i32
    %eq3A_32 = arith.cmpi eq, %arg1, %eq3A : i32
    %convert_element_type3A_33 = arith.extui %eq3A_32 : i1 to i32
    %cond3A_34 = arith.constant 0 : i32
    %cond3A_35 = arith.cmpi ne, %convert_element_type3A_33, %cond3A_34 : i32
    scf.if %cond3A_35 {
      "tpu.region"() ({
        %run_scoped3A = tpu.sem_alloc : memref<!tpu.dma_semaphore, #tpu.memory_space<semaphore_mem>>
        %dma_start3A = arith.constant 9360 : i32
        %dma_start3A_36 = arith.constant 0 : i32
        %dma_start3A_37 = tpu.memref_slice %arg9[%arg0, %dma_start3A, %dma_start3A_36] : memref<2x10000x128xf32, #tpu.memory_space<hbm>> -> memref<1x640x128xf32, #tpu.memory_space<hbm>>
        %dma_start3A_38 = tpu.memref_squeeze %dma_start3A_37 : memref<1x640x128xf32, #tpu.memory_space<hbm>> -> memref<640x128xf32, #tpu.memory_space<hbm>>
        %dma_start3A_39 = arith.constant 9360 : i32
        %dma_start3A_40 = arith.constant 0 : i32
        %dma_start3A_41 = tpu.memref_slice %arg16[%dma_start3A_39, %dma_start3A_40] : memref<10000x128xf32, #tpu.memory_space<vmem_shared>> -> memref<640x128xf32, #tpu.memory_space<vmem_shared>>
        tpu.enqueue_dma source(%dma_start3A_41 : memref<640x128xf32, #tpu.memory_space<vmem_shared>>) target(%dma_start3A_38 : memref<640x128xf32, #tpu.memory_space<hbm>>) target_semaphore(%run_scoped3A : memref<!tpu.dma_semaphore, #tpu.memory_space<semaphore_mem>>)
        %dma_wait3A = arith.constant 9360 : i32
        %dma_wait3A_42 = arith.constant 0 : i32
        %dma_wait3A_43 = tpu.memref_slice %arg9[%arg0, %dma_wait3A, %dma_wait3A_42] : memref<2x10000x128xf32, #tpu.memory_space<hbm>> -> memref<1x640x128xf32, #tpu.memory_space<hbm>>
        %dma_wait3A_44 = tpu.memref_squeeze %dma_wait3A_43 : memref<1x640x128xf32, #tpu.memory_space<hbm>> -> memref<640x128xf32, #tpu.memory_space<hbm>>
        %dma_wait3A_45 = arith.constant 9360 : i32
        %dma_wait3A_46 = arith.constant 0 : i32
        %dma_wait3A_47 = tpu.memref_slice %arg16[%dma_wait3A_45, %dma_wait3A_46] : memref<10000x128xf32, #tpu.memory_space<vmem_shared>> -> memref<640x128xf32, #tpu.memory_space<vmem_shared>>
        tpu.wait_dma2 semaphore(%run_scoped3A : memref<!tpu.dma_semaphore, #tpu.memory_space<semaphore_mem>>) src(%dma_wait3A_47 : memref<640x128xf32, #tpu.memory_space<vmem_shared>>) dst(%dma_wait3A_44 : memref<640x128xf32, #tpu.memory_space<hbm>>)
        tpu.yield
      }) : () -> ()
    } else {
    }
    return
  }
}

#map = affine_map<(d0, d1) -> (0, 0, 0)>
#map1 = affine_map<(d0, d1) -> (0, 0)>
module attributes {stable_mosaic.version = 14 : i64} {
  func.func @_deg_body(%arg0: i32, %arg1: i32, %arg2: memref<32x160x64xi32, #tpu.memory_space<hbm>>, %arg3: memref<8x16xf32, #tpu.memory_space<hbm>>, %arg4: memref<2x10000x16xf32, #tpu.memory_space<hbm>>, %arg5: memref<16x64xi32, #tpu.memory_space<vmem>>, %arg6: memref<64x16xf32, #tpu.memory_space<vmem>>, %arg7: memref<10000x16xf32, #tpu.memory_space<vmem_shared>>, %arg8: memref<!tpu.dma_semaphore, #tpu.memory_space<semaphore_mem>>) attributes {dimension_semantics = [#tpu.dimension_semantics<core_parallel>, #tpu.dimension_semantics<subcore_parallel>], iteration_bounds = array<i64: 2, 16>, scalar_prefetch = 0 : i64, scratch_operands = 4 : i64, tpu.core_type = #tpu.core_type<sc_vector_subcore>, window_params = [{transform_indices = #map}, {transform_indices = #map1}, {transform_indices = #map}]} {
    %mul3A = arith.constant 2 : i32
    %mul3A_0 = arith.muli %arg1, %mul3A : i32
    %add3A = arith.addi %mul3A_0, %arg0 : i32
    %scan3A = arith.constant 0 : i32
    %scan3A_1 = arith.constant 0 : i32
    %scan3A_2 = arith.constant 64 : i32
    %scan3A_3 = arith.addi %scan3A_1, %scan3A_2 : i32
    %scan3A_4 = arith.constant 1 : i32
    scf.for %scan3A_32 = %scan3A_1 to %scan3A_3 step %scan3A_4  : i32 {
      %broadcast_in_dim3A = arith.constant 1.000000e+00 : f32
      %broadcast_in_dim3A_33 = vector.broadcast %broadcast_in_dim3A : f32 to vector<16xf32>
      %swap3A = arith.index_cast %scan3A_32 : i32 to index
      %swap3A_34 = arith.constant 0 : index
      %swap3A_35 = tpu.vector_load %arg6[%swap3A, %swap3A_34] {strides = array<i32>} : memref<64x16xf32, #tpu.memory_space<vmem>>, vector<1x16xf32>,
      %swap3A_36 = vector.shape_cast %swap3A_35 : vector<1x16xf32> to vector<16xf32>
      %swap3A_37 = vector.shape_cast %broadcast_in_dim3A_33 : vector<16xf32> to vector<1x16xf32>
      tpu.vector_store %arg6[%swap3A, %swap3A_34], %swap3A_37 {strides = array<i32>} : memref<64x16xf32, #tpu.memory_space<vmem>>, vector<1x16xf32>,
    }
    %scan3A_5 = arith.constant 64 : i32
    %mul3A_6 = arith.constant 625 : i32
    %mul3A_7 = arith.muli %arg1, %mul3A_6 : i32
    %scan3A_8 = arith.constant 0 : i32
    %scan3A_9 = arith.constant 0 : i32
    %scan3A_10 = arith.constant 79 : i32
    %scan3A_11 = arith.addi %scan3A_9, %scan3A_10 : i32
    %scan3A_12 = arith.constant 1 : i32
    scf.for %scan3A_32 = %scan3A_9 to %scan3A_11 step %scan3A_12  : i32 {
      %mul3A_33 = arith.constant 8 : i32
      %mul3A_34 = arith.muli %scan3A_32, %mul3A_33 : i32
      %add3A_35 = arith.addi %mul3A_7, %mul3A_34 : i32
      %min3A = arith.constant 9992 : i32
      %min3A_36 = arith.minsi %add3A_35, %min3A : i32
      "tpu.region"() ({
        %run_scoped3A = tpu.sem_alloc : memref<!tpu.dma_semaphore, #tpu.memory_space<semaphore_mem>>
        %dma_start3A = arith.constant 0 : i32
        %dma_start3A_37 = tpu.memref_slice %arg7[%min3A_36, %dma_start3A] : memref<10000x16xf32, #tpu.memory_space<vmem_shared>> -> memref<8x16xf32, #tpu.memory_space<vmem_shared>>
        tpu.enqueue_dma source(%arg3 : memref<8x16xf32, #tpu.memory_space<hbm>>) target(%dma_start3A_37 : memref<8x16xf32, #tpu.memory_space<vmem_shared>>) target_semaphore(%run_scoped3A : memref<!tpu.dma_semaphore, #tpu.memory_space<semaphore_mem>>)
        %dma_wait3A = arith.constant 0 : i32
        %dma_wait3A_38 = tpu.memref_slice %arg7[%min3A_36, %dma_wait3A] : memref<10000x16xf32, #tpu.memory_space<vmem_shared>> -> memref<8x16xf32, #tpu.memory_space<vmem_shared>>
        tpu.wait_dma2 semaphore(%run_scoped3A : memref<!tpu.dma_semaphore, #tpu.memory_space<semaphore_mem>>) src(%arg3 : memref<8x16xf32, #tpu.memory_space<hbm>>) dst(%dma_wait3A_38 : memref<8x16xf32, #tpu.memory_space<vmem_shared>>)
        tpu.yield
      }) : () -> ()
    }
    %scan3A_13 = arith.constant 79 : i32
    %barrier3A = arith.constant 0 : index
    tpu.barrier barrier_id(%barrier3A)
    %lt3A = arith.constant 24 : i32
    %lt3A_14 = arith.cmpi slt, %add3A, %lt3A : i32
    %jit3A = arith.constant 156 : i32
    %jit3A_15 = arith.constant 157 : i32
    %select_n3A = arith.select %lt3A_14, %jit3A, %jit3A_15 : i32
    %scan3A_16 = arith.constant 0 : i32
    %scan3A_17 = arith.constant 0 : i32
    %scan3A_18 = arith.constant 10 : i32
    %scan3A_19 = arith.addi %scan3A_17, %scan3A_18 : i32
    %scan3A_20 = arith.constant 1 : i32
    scf.for %scan3A_32 = %scan3A_17 to %scan3A_19 step %scan3A_20  : i32 {
      %mul3A_33 = arith.constant 16 : i32
      %mul3A_34 = arith.muli %scan3A_32, %mul3A_33 : i32
      %scan3A_35 = arith.constant 0 : i32
      %scan3A_36 = arith.constant 0 : i32
      %scan3A_37 = arith.constant 2 : i32
      %scan3A_38 = arith.addi %scan3A_36, %scan3A_37 : i32
      %scan3A_39 = arith.constant 1 : i32
      scf.for %scan3A_61 = %scan3A_36 to %scan3A_38 step %scan3A_39  : i32 {
        %mul3A_62 = arith.constant 8 : i32
        %mul3A_63 = arith.muli %scan3A_61, %mul3A_62 : i32
        %add3A_64 = arith.addi %mul3A_34, %mul3A_63 : i32
        %mul3A_65 = arith.constant 8 : i32
        %mul3A_66 = arith.muli %scan3A_61, %mul3A_65 : i32
        "tpu.region"() ({
          %run_scoped3A = tpu.sem_alloc : memref<!tpu.dma_semaphore, #tpu.memory_space<semaphore_mem>>
          %dma_start3A = arith.constant 0 : i32
          %dma_start3A_67 = tpu.memref_slice %arg5[%mul3A_66, %dma_start3A] : memref<16x64xi32, #tpu.memory_space<vmem>> -> memref<8x64xi32, #tpu.memory_space<vmem>>
          %dma_start3A_68 = arith.constant 0 : i32
          %dma_start3A_69 = tpu.memref_slice %arg2[%add3A, %add3A_64, %dma_start3A_68] : memref<32x160x64xi32, #tpu.memory_space<hbm>> -> memref<1x8x64xi32, #tpu.memory_space<hbm>>
          %dma_start3A_70 = tpu.memref_squeeze %dma_start3A_69 : memref<1x8x64xi32, #tpu.memory_space<hbm>> -> memref<8x64xi32, #tpu.memory_space<hbm>>
          %dma_start3A_71 = arith.constant 0 : i32
          %dma_start3A_72 = tpu.memref_slice %arg5[%mul3A_66, %dma_start3A_71] : memref<16x64xi32, #tpu.memory_space<vmem>> -> memref<8x64xi32, #tpu.memory_space<vmem>>
          %dma_start3A_73 = arith.constant 0 : i32
          %dma_start3A_74 = tpu.memref_slice %arg2[%add3A, %add3A_64, %dma_start3A_73] : memref<32x160x64xi32, #tpu.memory_space<hbm>> -> memref<1x8x64xi32, #tpu.memory_space<hbm>>
          %dma_start3A_75 = tpu.memref_squeeze %dma_start3A_74 : memref<1x8x64xi32, #tpu.memory_space<hbm>> -> memref<8x64xi32, #tpu.memory_space<hbm>>
          tpu.enqueue_dma source(%dma_start3A_75 : memref<8x64xi32, #tpu.memory_space<hbm>>) target(%dma_start3A_72 : memref<8x64xi32, #tpu.memory_space<vmem>>) target_semaphore(%run_scoped3A : memref<!tpu.dma_semaphore, #tpu.memory_space<semaphore_mem>>)
          %dma_wait3A = arith.constant 0 : i32
          %dma_wait3A_76 = tpu.memref_slice %arg5[%mul3A_66, %dma_wait3A] : memref<16x64xi32, #tpu.memory_space<vmem>> -> memref<8x64xi32, #tpu.memory_space<vmem>>
          %dma_wait3A_77 = arith.constant 0 : i32
          %dma_wait3A_78 = tpu.memref_slice %arg2[%add3A, %add3A_64, %dma_wait3A_77] : memref<32x160x64xi32, #tpu.memory_space<hbm>> -> memref<1x8x64xi32, #tpu.memory_space<hbm>>
          %dma_wait3A_79 = tpu.memref_squeeze %dma_wait3A_78 : memref<1x8x64xi32, #tpu.memory_space<hbm>> -> memref<8x64xi32, #tpu.memory_space<hbm>>
          %dma_wait3A_80 = arith.constant 0 : i32
          %dma_wait3A_81 = tpu.memref_slice %arg5[%mul3A_66, %dma_wait3A_80] : memref<16x64xi32, #tpu.memory_space<vmem>> -> memref<8x64xi32, #tpu.memory_space<vmem>>
          %dma_wait3A_82 = arith.constant 0 : i32
          %dma_wait3A_83 = tpu.memref_slice %arg2[%add3A, %add3A_64, %dma_wait3A_82] : memref<32x160x64xi32, #tpu.memory_space<hbm>> -> memref<1x8x64xi32, #tpu.memory_space<hbm>>
          %dma_wait3A_84 = tpu.memref_squeeze %dma_wait3A_83 : memref<1x8x64xi32, #tpu.memory_space<hbm>> -> memref<8x64xi32, #tpu.memory_space<hbm>>
          tpu.wait_dma2 semaphore(%run_scoped3A : memref<!tpu.dma_semaphore, #tpu.memory_space<semaphore_mem>>) src(%dma_wait3A_84 : memref<8x64xi32, #tpu.memory_space<hbm>>) dst(%dma_wait3A_81 : memref<8x64xi32, #tpu.memory_space<vmem>>)
          tpu.yield
        }) : () -> ()
      }
      %scan3A_40 = arith.constant 2 : i32
      %sub3A = arith.subi %select_n3A, %mul3A_34 : i32
      %min3A = arith.constant 16 : i32
      %min3A_41 = arith.minsi %sub3A, %min3A : i32
      %while3A = arith.constant 0 : i32
      %while3A_42 = arith.constant 0 : i32
      %while3A_43 = arith.subi %min3A_41, %while3A_42 : i32
      %while3A_44 = arith.addi %while3A_42, %while3A_43 : i32
      %while3A_45 = arith.constant 1 : i32
      %while3A_46 = arith.divsi %while3A_43, %while3A_45 : i32
      %while3A_47 = arith.muli %while3A_46, %while3A_45 : i32
      %while3A_48 = arith.addi %while3A_42, %while3A_47 : i32
      %while3A_49 = arith.constant 1 : i32
      scf.for %while3A_61 = %while3A_42 to %while3A_48 step %while3A_49  : i32 {
        %dma_start3A = arith.constant 0 : i32
        %dma_start3A_62 = tpu.memref_slice %arg5[%while3A_61, %dma_start3A] : memref<16x64xi32, #tpu.memory_space<vmem>> -> memref<1x64xi32, #tpu.memory_space<vmem>>
        %dma_start3A_63 = tpu.memref_squeeze %dma_start3A_62 : memref<1x64xi32, #tpu.memory_space<vmem>> -> memref<64xi32, #tpu.memory_space<vmem>>
        %dma_start3A_64 = arith.constant 0 : i32
        %dma_start3A_65 = arith.constant 0 : i32
        %dma_start3A_66 = tpu.memref_slice %arg7[%dma_start3A_64, %dma_start3A_65] : memref<10000x16xf32, #tpu.memory_space<vmem_shared>> -> memref<10000x16xf32, #tpu.memory_space<vmem_shared>>
        tpu.enqueue_indirect_dma source(%arg6 : memref<64x16xf32, #tpu.memory_space<vmem>>) target(%dma_start3A_66 : memref<10000x16xf32, #tpu.memory_space<vmem_shared>>) offsets(%dma_start3A_63 : memref<64xi32, #tpu.memory_space<vmem>>) semaphore(%arg8 : memref<!tpu.dma_semaphore, #tpu.memory_space<semaphore_mem>>) {add = true}
      }
      %while3A_50 = arith.constant 1 : i32
      scf.for %while3A_61 = %while3A_48 to %while3A_44 step %while3A_50  : i32 {
        %dma_start3A = arith.constant 0 : i32
        %dma_start3A_62 = tpu.memref_slice %arg5[%while3A_61, %dma_start3A] : memref<16x64xi32, #tpu.memory_space<vmem>> -> memref<1x64xi32, #tpu.memory_space<vmem>>
        %dma_start3A_63 = tpu.memref_squeeze %dma_start3A_62 : memref<1x64xi32, #tpu.memory_space<vmem>> -> memref<64xi32, #tpu.memory_space<vmem>>
        %dma_start3A_64 = arith.constant 0 : i32
        %dma_start3A_65 = arith.constant 0 : i32
        %dma_start3A_66 = tpu.memref_slice %arg7[%dma_start3A_64, %dma_start3A_65] : memref<10000x16xf32, #tpu.memory_space<vmem_shared>> -> memref<10000x16xf32, #tpu.memory_space<vmem_shared>>
        tpu.enqueue_indirect_dma source(%arg6 : memref<64x16xf32, #tpu.memory_space<vmem>>) target(%dma_start3A_66 : memref<10000x16xf32, #tpu.memory_space<vmem_shared>>) offsets(%dma_start3A_63 : memref<64xi32, #tpu.memory_space<vmem>>) semaphore(%arg8 : memref<!tpu.dma_semaphore, #tpu.memory_space<semaphore_mem>>) {add = true}
      }
      %while3A_51 = arith.constant 0 : i32
      %while3A_52 = arith.constant 0 : i32
      %while3A_53 = arith.subi %min3A_41, %while3A_52 : i32
      %while3A_54 = arith.addi %while3A_52, %while3A_53 : i32
      %while3A_55 = arith.constant 1 : i32
      %while3A_56 = arith.divsi %while3A_53, %while3A_55 : i32
      %while3A_57 = arith.muli %while3A_56, %while3A_55 : i32
      %while3A_58 = arith.addi %while3A_52, %while3A_57 : i32
      %while3A_59 = arith.constant 1 : i32
      scf.for %while3A_61 = %while3A_52 to %while3A_58 step %while3A_59  : i32 {
        %dma_wait3A = arith.constant 0 : i32
        %dma_wait3A_62 = tpu.memref_slice %arg5[%while3A_61, %dma_wait3A] : memref<16x64xi32, #tpu.memory_space<vmem>> -> memref<1x64xi32, #tpu.memory_space<vmem>>
        %dma_wait3A_63 = tpu.memref_squeeze %dma_wait3A_62 : memref<1x64xi32, #tpu.memory_space<vmem>> -> memref<64xi32, #tpu.memory_space<vmem>>
        %dma_wait3A_64 = arith.constant 0 : i32
        %dma_wait3A_65 = arith.constant 0 : i32
        %dma_wait3A_66 = tpu.memref_slice %arg7[%dma_wait3A_64, %dma_wait3A_65] : memref<10000x16xf32, #tpu.memory_space<vmem_shared>> -> memref<10000x16xf32, #tpu.memory_space<vmem_shared>>
        tpu.wait_indirect_dma semaphore(%arg8 : memref<!tpu.dma_semaphore, #tpu.memory_space<semaphore_mem>>) src(%arg6 : memref<64x16xf32, #tpu.memory_space<vmem>>) dst(%dma_wait3A_66 : memref<10000x16xf32, #tpu.memory_space<vmem_shared>>)
      }
      %while3A_60 = arith.constant 1 : i32
      scf.for %while3A_61 = %while3A_58 to %while3A_54 step %while3A_60  : i32 {
        %dma_wait3A = arith.constant 0 : i32
        %dma_wait3A_62 = tpu.memref_slice %arg5[%while3A_61, %dma_wait3A] : memref<16x64xi32, #tpu.memory_space<vmem>> -> memref<1x64xi32, #tpu.memory_space<vmem>>
        %dma_wait3A_63 = tpu.memref_squeeze %dma_wait3A_62 : memref<1x64xi32, #tpu.memory_space<vmem>> -> memref<64xi32, #tpu.memory_space<vmem>>
        %dma_wait3A_64 = arith.constant 0 : i32
        %dma_wait3A_65 = arith.constant 0 : i32
        %dma_wait3A_66 = tpu.memref_slice %arg7[%dma_wait3A_64, %dma_wait3A_65] : memref<10000x16xf32, #tpu.memory_space<vmem_shared>> -> memref<10000x16xf32, #tpu.memory_space<vmem_shared>>
        tpu.wait_indirect_dma semaphore(%arg8 : memref<!tpu.dma_semaphore, #tpu.memory_space<semaphore_mem>>) src(%arg6 : memref<64x16xf32, #tpu.memory_space<vmem>>) dst(%dma_wait3A_66 : memref<10000x16xf32, #tpu.memory_space<vmem_shared>>)
      }
    }
    %scan3A_21 = arith.constant 10 : i32
    %barrier3A_22 = arith.constant 0 : index
    tpu.barrier barrier_id(%barrier3A_22)
    %mul3A_23 = arith.constant 624 : i32
    %mul3A_24 = arith.muli %arg1, %mul3A_23 : i32
    %lt3A_25 = arith.constant 15 : i32
    %lt3A_26 = arith.cmpi slt, %arg1, %lt3A_25 : i32
    %convert_element_type3A = arith.extui %lt3A_26 : i1 to i32
    %cond3A = arith.constant 0 : i32
    %cond3A_27 = arith.cmpi ne, %convert_element_type3A, %cond3A : i32
    scf.if %cond3A_27 {
      "tpu.region"() ({
        %run_scoped3A = tpu.sem_alloc : memref<!tpu.dma_semaphore, #tpu.memory_space<semaphore_mem>>
        %dma_start3A = arith.constant 0 : i32
        %dma_start3A_32 = tpu.memref_slice %arg4[%arg0, %mul3A_24, %dma_start3A] : memref<2x10000x16xf32, #tpu.memory_space<hbm>> -> memref<1x624x16xf32, #tpu.memory_space<hbm>>
        %dma_start3A_33 = tpu.memref_squeeze %dma_start3A_32 : memref<1x624x16xf32, #tpu.memory_space<hbm>> -> memref<624x16xf32, #tpu.memory_space<hbm>>
        %dma_start3A_34 = arith.constant 0 : i32
        %dma_start3A_35 = tpu.memref_slice %arg7[%mul3A_24, %dma_start3A_34] : memref<10000x16xf32, #tpu.memory_space<vmem_shared>> -> memref<624x16xf32, #tpu.memory_space<vmem_shared>>
        tpu.enqueue_dma source(%dma_start3A_35 : memref<624x16xf32, #tpu.memory_space<vmem_shared>>) target(%dma_start3A_33 : memref<624x16xf32, #tpu.memory_space<hbm>>) target_semaphore(%run_scoped3A : memref<!tpu.dma_semaphore, #tpu.memory_space<semaphore_mem>>)
        %dma_wait3A = arith.constant 0 : i32
        %dma_wait3A_36 = tpu.memref_slice %arg4[%arg0, %mul3A_24, %dma_wait3A] : memref<2x10000x16xf32, #tpu.memory_space<hbm>> -> memref<1x624x16xf32, #tpu.memory_space<hbm>>
        %dma_wait3A_37 = tpu.memref_squeeze %dma_wait3A_36 : memref<1x624x16xf32, #tpu.memory_space<hbm>> -> memref<624x16xf32, #tpu.memory_space<hbm>>
        %dma_wait3A_38 = arith.constant 0 : i32
        %dma_wait3A_39 = tpu.memref_slice %arg7[%mul3A_24, %dma_wait3A_38] : memref<10000x16xf32, #tpu.memory_space<vmem_shared>> -> memref<624x16xf32, #tpu.memory_space<vmem_shared>>
        tpu.wait_dma2 semaphore(%run_scoped3A : memref<!tpu.dma_semaphore, #tpu.memory_space<semaphore_mem>>) src(%dma_wait3A_39 : memref<624x16xf32, #tpu.memory_space<vmem_shared>>) dst(%dma_wait3A_37 : memref<624x16xf32, #tpu.memory_space<hbm>>)
        tpu.yield
      }) : () -> ()
    } else {
    }
    %eq3A = arith.constant 15 : i32
    %eq3A_28 = arith.cmpi eq, %arg1, %eq3A : i32
    %convert_element_type3A_29 = arith.extui %eq3A_28 : i1 to i32
    %cond3A_30 = arith.constant 0 : i32
    %cond3A_31 = arith.cmpi ne, %convert_element_type3A_29, %cond3A_30 : i32
    scf.if %cond3A_31 {
      "tpu.region"() ({
        %run_scoped3A = tpu.sem_alloc : memref<!tpu.dma_semaphore, #tpu.memory_space<semaphore_mem>>
        %dma_start3A = arith.constant 9360 : i32
        %dma_start3A_32 = arith.constant 0 : i32
        %dma_start3A_33 = tpu.memref_slice %arg4[%arg0, %dma_start3A, %dma_start3A_32] : memref<2x10000x16xf32, #tpu.memory_space<hbm>> -> memref<1x640x16xf32, #tpu.memory_space<hbm>>
        %dma_start3A_34 = tpu.memref_squeeze %dma_start3A_33 : memref<1x640x16xf32, #tpu.memory_space<hbm>> -> memref<640x16xf32, #tpu.memory_space<hbm>>
        %dma_start3A_35 = arith.constant 9360 : i32
        %dma_start3A_36 = arith.constant 0 : i32
        %dma_start3A_37 = tpu.memref_slice %arg7[%dma_start3A_35, %dma_start3A_36] : memref<10000x16xf32, #tpu.memory_space<vmem_shared>> -> memref<640x16xf32, #tpu.memory_space<vmem_shared>>
        tpu.enqueue_dma source(%dma_start3A_37 : memref<640x16xf32, #tpu.memory_space<vmem_shared>>) target(%dma_start3A_34 : memref<640x16xf32, #tpu.memory_space<hbm>>) target_semaphore(%run_scoped3A : memref<!tpu.dma_semaphore, #tpu.memory_space<semaphore_mem>>)
        %dma_wait3A = arith.constant 9360 : i32
        %dma_wait3A_38 = arith.constant 0 : i32
        %dma_wait3A_39 = tpu.memref_slice %arg4[%arg0, %dma_wait3A, %dma_wait3A_38] : memref<2x10000x16xf32, #tpu.memory_space<hbm>> -> memref<1x640x16xf32, #tpu.memory_space<hbm>>
        %dma_wait3A_40 = tpu.memref_squeeze %dma_wait3A_39 : memref<1x640x16xf32, #tpu.memory_space<hbm>> -> memref<640x16xf32, #tpu.memory_space<hbm>>
        %dma_wait3A_41 = arith.constant 9360 : i32
        %dma_wait3A_42 = arith.constant 0 : i32
        %dma_wait3A_43 = tpu.memref_slice %arg7[%dma_wait3A_41, %dma_wait3A_42] : memref<10000x16xf32, #tpu.memory_space<vmem_shared>> -> memref<640x16xf32, #tpu.memory_space<vmem_shared>>
        tpu.wait_dma2 semaphore(%run_scoped3A : memref<!tpu.dma_semaphore, #tpu.memory_space<semaphore_mem>>) src(%dma_wait3A_43 : memref<640x16xf32, #tpu.memory_space<vmem_shared>>) dst(%dma_wait3A_40 : memref<640x16xf32, #tpu.memory_space<hbm>>)
        tpu.yield
      }) : () -> ()
    } else {
    }
    return
  }
}

module attributes {stable_mosaic.version = 14 : i64} {
  func.func @_ab_body(%arg0: i32, %arg1: memref<1000x128xf32, #tpu.memory_space<vmem>>, %arg2: memref<128x128xf32, #tpu.memory_space<vmem>>, %arg3: memref<128x128xf32, #tpu.memory_space<vmem>>, %arg4: memref<128x128xf32, #tpu.memory_space<vmem>>, %arg5: memref<1000x128xf32, #tpu.memory_space<vmem>>, %arg6: memref<1000x128xf32, #tpu.memory_space<vmem>>) attributes {dimension_semantics = [#tpu.dimension_semantics<arbitrary>], iteration_bounds = array<i64: 10>, scalar_prefetch = 0 : i64, scratch_operands = 0 : i64, tpu.core_type = #tpu.core_type<tc>, window_params = [{transform_indices = @transform_0, window_bounds = array<i64: 1000, 128>}, {pipeline_mode = #tpu.pipeline_mode<synchronous>, transform_indices = @transform_1, window_bounds = array<i64: 128, 128>}, {pipeline_mode = #tpu.pipeline_mode<synchronous>, transform_indices = @transform_2, window_bounds = array<i64: 128, 128>}, {pipeline_mode = #tpu.pipeline_mode<synchronous>, transform_indices = @transform_3, window_bounds = array<i64: 128, 128>}, {transform_indices = @transform_4, window_bounds = array<i64: 1000, 128>}, {transform_indices = @transform_5, window_bounds = array<i64: 1000, 128>}]} {
    %get3A = arith.constant 0 : index
    %get3A_0 = arith.constant 0 : index
    %get3A_1 = vector.load %arg1[%get3A, %get3A_0] : memref<1000x128xf32, #tpu.memory_space<vmem>>, vector<1000x128xf32>
    %get3A_2 = arith.constant 0 : index
    %get3A_3 = arith.constant 0 : index
    %get3A_4 = vector.load %arg4[%get3A_2, %get3A_3] : memref<128x128xf32, #tpu.memory_space<vmem>>, vector<128x128xf32>
    %get3A_5 = arith.constant 0 : index
    %get3A_6 = arith.constant 0 : index
    %get3A_7 = vector.load %arg2[%get3A_5, %get3A_6] : memref<128x128xf32, #tpu.memory_space<vmem>>, vector<128x128xf32>
    %dot_general3A = arith.constant dense<0.000000e+00> : vector<128x128xf32>
    %dot_general3A_8 = tpu.matmul %get3A_7, %get3A_4, %dot_general3A {dimension_numbers = #tpu.dot_dimension_numbers<[1], [0], [0], [1], [0, 0, 1, 1], [], []>, transpose_lhs_hint = false} : vector<128x128xf32>, vector<128x128xf32>, vector<128x128xf32> -> vector<128x128xf32>
    %get3A_9 = arith.constant 0 : index
    %get3A_10 = arith.constant 0 : index
    %get3A_11 = vector.load %arg3[%get3A_9, %get3A_10] : memref<128x128xf32, #tpu.memory_space<vmem>>, vector<128x128xf32>
    %dot_general3A_12 = arith.constant dense<0.000000e+00> : vector<128x128xf32>
    %dot_general3A_13 = tpu.matmul %get3A_11, %get3A_4, %dot_general3A_12 {dimension_numbers = #tpu.dot_dimension_numbers<[1], [0], [0], [1], [0, 0, 1, 1], [], []>, transpose_lhs_hint = false} : vector<128x128xf32>, vector<128x128xf32>, vector<128x128xf32> -> vector<128x128xf32>
    %dot_general3A_14 = arith.constant dense<0.000000e+00> : vector<1000x128xf32>
    %dot_general3A_15 = tpu.matmul %get3A_1, %dot_general3A_8, %dot_general3A_14 {dimension_numbers = #tpu.dot_dimension_numbers<[1], [0], [0], [1], [0, 0, 1, 1], [], []>, transpose_lhs_hint = false} : vector<1000x128xf32>, vector<128x128xf32>, vector<1000x128xf32> -> vector<1000x128xf32>
    %swap3A = arith.constant 0 : index
    %swap3A_16 = arith.constant 0 : index
    %swap3A_17 = vector.load %arg5[%swap3A, %swap3A_16] : memref<1000x128xf32, #tpu.memory_space<vmem>>, vector<1000x128xf32>
    tpu.vector_store %arg5[%swap3A, %swap3A_16], %dot_general3A_15 {strides = array<i32>} : memref<1000x128xf32, #tpu.memory_space<vmem>>, vector<1000x128xf32>,
    %dot_general3A_18 = arith.constant dense<0.000000e+00> : vector<1000x128xf32>
    %dot_general3A_19 = tpu.matmul %get3A_1, %dot_general3A_13, %dot_general3A_18 {dimension_numbers = #tpu.dot_dimension_numbers<[1], [0], [0], [1], [0, 0, 1, 1], [], []>, transpose_lhs_hint = false} : vector<1000x128xf32>, vector<128x128xf32>, vector<1000x128xf32> -> vector<1000x128xf32>
    %swap3A_20 = arith.constant 0 : index
    %swap3A_21 = arith.constant 0 : index
    %swap3A_22 = vector.load %arg6[%swap3A_20, %swap3A_21] : memref<1000x128xf32, #tpu.memory_space<vmem>>, vector<1000x128xf32>
    tpu.vector_store %arg6[%swap3A_20, %swap3A_21], %dot_general3A_19 {strides = array<i32>} : memref<1000x128xf32, #tpu.memory_space<vmem>>, vector<1000x128xf32>,
    return
  }
  func.func @transform_0(%arg0: i32) -> (i32, i32) {
    %c0_i32 = arith.constant 0 : i32
    %c0_i32_0 = arith.constant 0 : i32
    return %arg0, %c0_i32 : i32, i32
  }
  func.func @transform_1(%arg0: i32) -> (i32, i32) {
    %c0_i32 = arith.constant 0 : i32
    %c0_i32_0 = arith.constant 0 : i32
    %c0_i32_1 = arith.constant 0 : i32
    return %c0_i32, %c0_i32_0 : i32, i32
  }
  func.func @transform_2(%arg0: i32) -> (i32, i32) {
    %c0_i32 = arith.constant 0 : i32
    %c0_i32_0 = arith.constant 0 : i32
    %c0_i32_1 = arith.constant 0 : i32
    return %c0_i32, %c0_i32_0 : i32, i32
  }
  func.func @transform_3(%arg0: i32) -> (i32, i32) {
    %c0_i32 = arith.constant 0 : i32
    %c0_i32_0 = arith.constant 0 : i32
    %c0_i32_1 = arith.constant 0 : i32
    return %c0_i32, %c0_i32_0 : i32, i32
  }
  func.func @transform_4(%arg0: i32) -> (i32, i32) {
    %c0_i32 = arith.constant 0 : i32
    %c0_i32_0 = arith.constant 0 : i32
    return %arg0, %c0_i32 : i32, i32
  }
  func.func @transform_5(%arg0: i32) -> (i32, i32) {
    %c0_i32 = arith.constant 0 : i32
    %c0_i32_0 = arith.constant 0 : i32
    return %arg0, %c0_i32 : i32, i32
  }
}

module attributes {stable_mosaic.version = 14 : i64} {
  func.func @_c_body(%arg0: i32, %arg1: memref<2000x16xf32, #tpu.memory_space<vmem>>, %arg2: memref<16x128xf32, #tpu.memory_space<vmem>>, %arg3: memref<1x128xf32, #tpu.memory_space<vmem>>, %arg4: memref<1x128xf32, #tpu.memory_space<vmem>>, %arg5: memref<1x128xf32, #tpu.memory_space<vmem>>, %arg6: memref<128x128xf32, #tpu.memory_space<vmem>>, %arg7: memref<1x128xf32, #tpu.memory_space<vmem>>, %arg8: memref<2000x128xf32, #tpu.memory_space<vmem>>) attributes {dimension_semantics = [#tpu.dimension_semantics<arbitrary>], iteration_bounds = array<i64: 160>, scalar_prefetch = 0 : i64, scratch_operands = 0 : i64, tpu.core_type = #tpu.core_type<tc>, window_params = [{transform_indices = @transform_0, window_bounds = array<i64: 2000, 16>}, {pipeline_mode = #tpu.pipeline_mode<synchronous>, transform_indices = @transform_1, window_bounds = array<i64: 16, 128>}, {pipeline_mode = #tpu.pipeline_mode<synchronous>, transform_indices = @transform_2, window_bounds = array<i64: 1, 128>}, {pipeline_mode = #tpu.pipeline_mode<synchronous>, transform_indices = @transform_3, window_bounds = array<i64: 1, 128>}, {pipeline_mode = #tpu.pipeline_mode<synchronous>, transform_indices = @transform_4, window_bounds = array<i64: 1, 128>}, {pipeline_mode = #tpu.pipeline_mode<synchronous>, transform_indices = @transform_5, window_bounds = array<i64: 128, 128>}, {pipeline_mode = #tpu.pipeline_mode<synchronous>, transform_indices = @transform_6, window_bounds = array<i64: 1, 128>}, {transform_indices = @transform_7, window_bounds = array<i64: 2000, 128>}]} {
    %get3A = arith.constant 0 : index
    %get3A_0 = arith.constant 0 : index
    %get3A_1 = vector.load %arg6[%get3A, %get3A_0] : memref<128x128xf32, #tpu.memory_space<vmem>>, vector<128x128xf32>
    %get3A_2 = arith.constant 0 : index
    %get3A_3 = arith.constant 0 : index
    %get3A_4 = vector.load %arg2[%get3A_2, %get3A_3] : memref<16x128xf32, #tpu.memory_space<vmem>>, vector<16x128xf32>
    %dot_general3A = arith.constant dense<0.000000e+00> : vector<16x128xf32>
    %dot_general3A_5 = tpu.matmul %get3A_4, %get3A_1, %dot_general3A {dimension_numbers = #tpu.dot_dimension_numbers<[1], [0], [0], [1], [0, 0, 1, 1], [], []>, transpose_lhs_hint = false} : vector<16x128xf32>, vector<128x128xf32>, vector<16x128xf32> -> vector<16x128xf32>
    %get3A_6 = arith.constant 0 : index
    %get3A_7 = arith.constant 0 : index
    %get3A_8 = vector.load %arg3[%get3A_6, %get3A_7] : memref<1x128xf32, #tpu.memory_space<vmem>>, vector<1x128xf32>
    %get3A_9 = arith.constant 0 : index
    %get3A_10 = arith.constant 0 : index
    %get3A_11 = vector.load %arg4[%get3A_9, %get3A_10] : memref<1x128xf32, #tpu.memory_space<vmem>>, vector<1x128xf32>
    %add3A = arith.addf %get3A_8, %get3A_11 : vector<1x128xf32>
    %get3A_12 = arith.constant 0 : index
    %get3A_13 = arith.constant 0 : index
    %get3A_14 = vector.load %arg5[%get3A_12, %get3A_13] : memref<1x128xf32, #tpu.memory_space<vmem>>, vector<1x128xf32>
    %add3A_15 = arith.addf %add3A, %get3A_14 : vector<1x128xf32>
    %dot_general3A_16 = arith.constant dense<0.000000e+00> : vector<1x128xf32>
    %dot_general3A_17 = tpu.matmul %add3A_15, %get3A_1, %dot_general3A_16 {dimension_numbers = #tpu.dot_dimension_numbers<[1], [0], [0], [1], [0, 0, 1, 1], [], []>, transpose_lhs_hint = false} : vector<1x128xf32>, vector<128x128xf32>, vector<1x128xf32> -> vector<1x128xf32>
    %get3A_18 = arith.constant 0 : index
    %get3A_19 = arith.constant 0 : index
    %get3A_20 = vector.load %arg7[%get3A_18, %get3A_19] : memref<1x128xf32, #tpu.memory_space<vmem>>, vector<1x128xf32>
    %add3A_21 = arith.addf %dot_general3A_17, %get3A_20 : vector<1x128xf32>
    %get3A_22 = arith.constant 0 : index
    %get3A_23 = arith.constant 0 : index
    %get3A_24 = vector.load %arg1[%get3A_22, %get3A_23] : memref<2000x16xf32, #tpu.memory_space<vmem>>, vector<2000x16xf32>
    %dot_general3A_25 = arith.constant dense<0.000000e+00> : vector<2000x128xf32>
    %dot_general3A_26 = tpu.matmul %get3A_24, %dot_general3A_5, %dot_general3A_25 {dimension_numbers = #tpu.dot_dimension_numbers<[1], [0], [0], [1], [0, 0, 1, 1], [], []>, transpose_lhs_hint = false} : vector<2000x16xf32>, vector<16x128xf32>, vector<2000x128xf32> -> vector<2000x128xf32>
    %add3A_27 = vector.broadcast %add3A_21 : vector<1x128xf32> to vector<2000x128xf32>
    %add3A_28 = arith.addf %dot_general3A_26, %add3A_27 : vector<2000x128xf32>
    %swap3A = arith.constant 0 : index
    %swap3A_29 = arith.constant 0 : index
    %swap3A_30 = vector.load %arg8[%swap3A, %swap3A_29] : memref<2000x128xf32, #tpu.memory_space<vmem>>, vector<2000x128xf32>
    tpu.vector_store %arg8[%swap3A, %swap3A_29], %add3A_28 {strides = array<i32>} : memref<2000x128xf32, #tpu.memory_space<vmem>>, vector<2000x128xf32>,
    return
  }
  func.func @transform_0(%arg0: i32) -> (i32, i32) {
    %c0_i32 = arith.constant 0 : i32
    %c0_i32_0 = arith.constant 0 : i32
    return %arg0, %c0_i32 : i32, i32
  }
  func.func @transform_1(%arg0: i32) -> (i32, i32) {
    %c0_i32 = arith.constant 0 : i32
    %c0_i32_0 = arith.constant 0 : i32
    %c0_i32_1 = arith.constant 0 : i32
    return %c0_i32, %c0_i32_0 : i32, i32
  }
  func.func @transform_2(%arg0: i32) -> (i32, i32) {
    %c0_i32 = arith.constant 0 : i32
    %c0_i32_0 = arith.constant 0 : i32
    %c0_i32_1 = arith.constant 0 : i32
    return %c0_i32, %c0_i32_0 : i32, i32
  }
  func.func @transform_3(%arg0: i32) -> (i32, i32) {
    %c0_i32 = arith.constant 0 : i32
    %c0_i32_0 = arith.constant 0 : i32
    %c0_i32_1 = arith.constant 0 : i32
    return %c0_i32, %c0_i32_0 : i32, i32
  }
  func.func @transform_4(%arg0: i32) -> (i32, i32) {
    %c0_i32 = arith.constant 0 : i32
    %c0_i32_0 = arith.constant 0 : i32
    %c0_i32_1 = arith.constant 0 : i32
    return %c0_i32, %c0_i32_0 : i32, i32
  }
  func.func @transform_5(%arg0: i32) -> (i32, i32) {
    %c0_i32 = arith.constant 0 : i32
    %c0_i32_0 = arith.constant 0 : i32
    %c0_i32_1 = arith.constant 0 : i32
    return %c0_i32, %c0_i32_0 : i32, i32
  }
  func.func @transform_6(%arg0: i32) -> (i32, i32) {
    %c0_i32 = arith.constant 0 : i32
    %c0_i32_0 = arith.constant 0 : i32
    %c0_i32_1 = arith.constant 0 : i32
    return %c0_i32, %c0_i32_0 : i32, i32
  }
  func.func @transform_7(%arg0: i32) -> (i32, i32) {
    %c0_i32 = arith.constant 0 : i32
    %c0_i32_0 = arith.constant 0 : i32
    return %arg0, %c0_i32 : i32, i32
  }
}

module attributes {stable_mosaic.version = 14 : i64} {
  func.func @_out_body(%arg0: i32, %arg1: memref<1000x128xf32, #tpu.memory_space<vmem>>, %arg2: memref<2x1000x128xf32, #tpu.memory_space<vmem>>, %arg3: memref<2x1000x16xf32, #tpu.memory_space<vmem>>, %arg4: memref<128x128xf32, #tpu.memory_space<vmem>>, %arg5: memref<1x128xf32, #tpu.memory_space<vmem>>, %arg6: memref<128x64xf32, #tpu.memory_space<vmem>>, %arg7: memref<1x64xf32, #tpu.memory_space<vmem>>, %arg8: memref<128x64xf32, #tpu.memory_space<vmem>>, %arg9: memref<1x64xf32, #tpu.memory_space<vmem>>, %arg10: memref<64x64xf32, #tpu.memory_space<vmem>>, %arg11: memref<1x64xf32, #tpu.memory_space<vmem>>, %arg12: memref<64x64xf32, #tpu.memory_space<vmem>>, %arg13: memref<1x64xf32, #tpu.memory_space<vmem>>, %arg14: memref<64x128xf32, #tpu.memory_space<vmem>>, %arg15: memref<1x128xf32, #tpu.memory_space<vmem>>, %arg16: memref<1000x128xf32, #tpu.memory_space<vmem>>) attributes {dimension_semantics = [#tpu.dimension_semantics<arbitrary>], iteration_bounds = array<i64: 10>, scalar_prefetch = 0 : i64, scratch_operands = 0 : i64, tpu.core_type = #tpu.core_type<tc>, window_params = [{transform_indices = @transform_0, window_bounds = array<i64: 1000, 128>}, {transform_indices = @transform_1, window_bounds = array<i64: 2, 1000, 128>}, {transform_indices = @transform_2, window_bounds = array<i64: 2, 1000, 16>}, {pipeline_mode = #tpu.pipeline_mode<synchronous>, transform_indices = @transform_3, window_bounds = array<i64: 128, 128>}, {pipeline_mode = #tpu.pipeline_mode<synchronous>, transform_indices = @transform_4, window_bounds = array<i64: 1, 128>}, {pipeline_mode = #tpu.pipeline_mode<synchronous>, transform_indices = @transform_5, window_bounds = array<i64: 128, 64>}, {pipeline_mode = #tpu.pipeline_mode<synchronous>, transform_indices = @transform_6, window_bounds = array<i64: 1, 64>}, {pipeline_mode = #tpu.pipeline_mode<synchronous>, transform_indices = @transform_7, window_bounds = array<i64: 128, 64>}, {pipeline_mode = #tpu.pipeline_mode<synchronous>, transform_indices = @transform_8, window_bounds = array<i64: 1, 64>}, {pipeline_mode = #tpu.pipeline_mode<synchronous>, transform_indices = @transform_9, window_bounds = array<i64: 64, 64>}, {pipeline_mode = #tpu.pipeline_mode<synchronous>, transform_indices = @transform_10, window_bounds = array<i64: 1, 64>}, {pipeline_mode = #tpu.pipeline_mode<synchronous>, transform_indices = @transform_11, window_bounds = array<i64: 64, 64>}, {pipeline_mode = #tpu.pipeline_mode<synchronous>, transform_indices = @transform_12, window_bounds = array<i64: 1, 64>}, {pipeline_mode = #tpu.pipeline_mode<synchronous>, transform_indices = @transform_13, window_bounds = array<i64: 64, 128>}, {pipeline_mode = #tpu.pipeline_mode<synchronous>, transform_indices = @transform_14, window_bounds = array<i64: 1, 128>}, {transform_indices = @transform_15, window_bounds = array<i64: 1000, 128>}]} {
    %get3A = arith.constant 0 : index
    %get3A_0 = arith.constant 0 : index
    %get3A_1 = arith.constant 0 : index
    %get3A_2 = vector.load %arg2[%get3A, %get3A_0, %get3A_1] : memref<2x1000x128xf32, #tpu.memory_space<vmem>>, vector<1x1000x128xf32>
    %get3A_3 = vector.shape_cast %get3A_2 : vector<1x1000x128xf32> to vector<1000x128xf32>
    %get3A_4 = arith.constant 1 : index
    %get3A_5 = arith.constant 0 : index
    %get3A_6 = arith.constant 0 : index
    %get3A_7 = vector.load %arg2[%get3A_4, %get3A_5, %get3A_6] : memref<2x1000x128xf32, #tpu.memory_space<vmem>>, vector<1x1000x128xf32>
    %get3A_8 = vector.shape_cast %get3A_7 : vector<1x1000x128xf32> to vector<1000x128xf32>
    %add3A = arith.addf %get3A_3, %get3A_8 : vector<1000x128xf32>
    %get3A_9 = arith.constant 0 : index
    %get3A_10 = arith.constant 0 : index
    %get3A_11 = arith.constant 0 : index
    %get3A_12 = vector.load %arg3[%get3A_9, %get3A_10, %get3A_11] : memref<2x1000x16xf32, #tpu.memory_space<vmem>>, vector<1x1000x16xf32>
    %get3A_13 = vector.shape_cast %get3A_12 : vector<1x1000x16xf32> to vector<1000x16xf32>
    %get3A_14 = arith.constant 1 : index
    %get3A_15 = arith.constant 0 : index
    %get3A_16 = arith.constant 0 : index
    %get3A_17 = vector.load %arg3[%get3A_14, %get3A_15, %get3A_16] : memref<2x1000x16xf32, #tpu.memory_space<vmem>>, vector<1x1000x16xf32>
    %get3A_18 = vector.shape_cast %get3A_17 : vector<1x1000x16xf32> to vector<1000x16xf32>
    %add3A_19 = arith.addf %get3A_13, %get3A_18 : vector<1000x16xf32>
    %slice3A = vector.extract_strided_slice %add3A_19 {offsets = [0, 0], sizes = [1000, 1], strides = [1, 1]} : vector<1000x16xf32> to vector<1000x1xf32>
    %get3A_20 = arith.constant 0 : index
    %get3A_21 = arith.constant 0 : index
    %get3A_22 = vector.load %arg4[%get3A_20, %get3A_21] : memref<128x128xf32, #tpu.memory_space<vmem>>, vector<128x128xf32>
    %dot_general3A = arith.constant dense<0.000000e+00> : vector<1000x128xf32>
    %dot_general3A_23 = tpu.matmul %add3A, %get3A_22, %dot_general3A {dimension_numbers = #tpu.dot_dimension_numbers<[1], [0], [0], [1], [0, 0, 1, 1], [], []>, transpose_lhs_hint = false} : vector<1000x128xf32>, vector<128x128xf32>, vector<1000x128xf32> -> vector<1000x128xf32>
    %get3A_24 = arith.constant 0 : index
    %get3A_25 = arith.constant 0 : index
    %get3A_26 = vector.load %arg5[%get3A_24, %get3A_25] : memref<1x128xf32, #tpu.memory_space<vmem>>, vector<1x128xf32>
    %mul3A = vector.broadcast %slice3A : vector<1000x1xf32> to vector<1000x128xf32>
    %mul3A_27 = vector.broadcast %get3A_26 : vector<1x128xf32> to vector<1000x128xf32>
    %mul3A_28 = arith.mulf %mul3A, %mul3A_27 : vector<1000x128xf32>
    %add3A_29 = arith.addf %dot_general3A_23, %mul3A_28 : vector<1000x128xf32>
    %get3A_30 = arith.constant 0 : index
    %get3A_31 = arith.constant 0 : index
    %get3A_32 = vector.load %arg1[%get3A_30, %get3A_31] : memref<1000x128xf32, #tpu.memory_space<vmem>>, vector<1000x128xf32>
    %get3A_33 = arith.constant 0 : index
    %get3A_34 = arith.constant 0 : index
    %get3A_35 = vector.load %arg6[%get3A_33, %get3A_34] : memref<128x64xf32, #tpu.memory_space<vmem>>, vector<128x64xf32>
    %dot_general3A_36 = arith.constant dense<0.000000e+00> : vector<1000x64xf32>
    %dot_general3A_37 = tpu.matmul %get3A_32, %get3A_35, %dot_general3A_36 {dimension_numbers = #tpu.dot_dimension_numbers<[1], [0], [0], [1], [0, 0, 1, 1], [], []>, transpose_lhs_hint = false} : vector<1000x128xf32>, vector<128x64xf32>, vector<1000x64xf32> -> vector<1000x64xf32>
    %get3A_38 = arith.constant 0 : index
    %get3A_39 = arith.constant 0 : index
    %get3A_40 = vector.load %arg7[%get3A_38, %get3A_39] : memref<1x64xf32, #tpu.memory_space<vmem>>, vector<1x64xf32>
    %add3A_41 = vector.broadcast %get3A_40 : vector<1x64xf32> to vector<1000x64xf32>
    %add3A_42 = arith.addf %dot_general3A_37, %add3A_41 : vector<1000x64xf32>
    %get3A_43 = arith.constant 0 : index
    %get3A_44 = arith.constant 0 : index
    %get3A_45 = vector.load %arg8[%get3A_43, %get3A_44] : memref<128x64xf32, #tpu.memory_space<vmem>>, vector<128x64xf32>
    %dot_general3A_46 = arith.constant dense<0.000000e+00> : vector<1000x64xf32>
    %dot_general3A_47 = tpu.matmul %add3A_29, %get3A_45, %dot_general3A_46 {dimension_numbers = #tpu.dot_dimension_numbers<[1], [0], [0], [1], [0, 0, 1, 1], [], []>, transpose_lhs_hint = false} : vector<1000x128xf32>, vector<128x64xf32>, vector<1000x64xf32> -> vector<1000x64xf32>
    %add3A_48 = arith.addf %add3A_42, %dot_general3A_47 : vector<1000x64xf32>
    %get3A_49 = arith.constant 0 : index
    %get3A_50 = arith.constant 0 : index
    %get3A_51 = vector.load %arg9[%get3A_49, %get3A_50] : memref<1x64xf32, #tpu.memory_space<vmem>>, vector<1x64xf32>
    %add3A_52 = vector.broadcast %get3A_51 : vector<1x64xf32> to vector<1000x64xf32>
    %add3A_53 = arith.addf %add3A_48, %add3A_52 : vector<1000x64xf32>
    %mul3A_54 = arith.constant 0.00999999977 : f32
    %mul3A_55 = vector.broadcast %mul3A_54 : f32 to vector<1000x64xf32>
    %mul3A_56 = arith.mulf %add3A_53, %mul3A_55 : vector<1000x64xf32>
    %max3A = arith.maximumf %add3A_53, %mul3A_56 : vector<1000x64xf32>
    %get3A_57 = arith.constant 0 : index
    %get3A_58 = arith.constant 0 : index
    %get3A_59 = vector.load %arg10[%get3A_57, %get3A_58] : memref<64x64xf32, #tpu.memory_space<vmem>>, vector<64x64xf32>
    %dot_general3A_60 = arith.constant dense<0.000000e+00> : vector<1000x64xf32>
    %dot_general3A_61 = tpu.matmul %max3A, %get3A_59, %dot_general3A_60 {dimension_numbers = #tpu.dot_dimension_numbers<[1], [0], [0], [1], [0, 0, 1, 1], [], []>, transpose_lhs_hint = false} : vector<1000x64xf32>, vector<64x64xf32>, vector<1000x64xf32> -> vector<1000x64xf32>
    %get3A_62 = arith.constant 0 : index
    %get3A_63 = arith.constant 0 : index
    %get3A_64 = vector.load %arg11[%get3A_62, %get3A_63] : memref<1x64xf32, #tpu.memory_space<vmem>>, vector<1x64xf32>
    %add3A_65 = vector.broadcast %get3A_64 : vector<1x64xf32> to vector<1000x64xf32>
    %add3A_66 = arith.addf %dot_general3A_61, %add3A_65 : vector<1000x64xf32>
    %mul3A_67 = arith.constant 0.00999999977 : f32
    %mul3A_68 = vector.broadcast %mul3A_67 : f32 to vector<1000x64xf32>
    %mul3A_69 = arith.mulf %add3A_66, %mul3A_68 : vector<1000x64xf32>
    %max3A_70 = arith.maximumf %add3A_66, %mul3A_69 : vector<1000x64xf32>
    %get3A_71 = arith.constant 0 : index
    %get3A_72 = arith.constant 0 : index
    %get3A_73 = vector.load %arg12[%get3A_71, %get3A_72] : memref<64x64xf32, #tpu.memory_space<vmem>>, vector<64x64xf32>
    %dot_general3A_74 = arith.constant dense<0.000000e+00> : vector<1000x64xf32>
    %dot_general3A_75 = tpu.matmul %max3A_70, %get3A_73, %dot_general3A_74 {dimension_numbers = #tpu.dot_dimension_numbers<[1], [0], [0], [1], [0, 0, 1, 1], [], []>, transpose_lhs_hint = false} : vector<1000x64xf32>, vector<64x64xf32>, vector<1000x64xf32> -> vector<1000x64xf32>
    %get3A_76 = arith.constant 0 : index
    %get3A_77 = arith.constant 0 : index
    %get3A_78 = vector.load %arg13[%get3A_76, %get3A_77] : memref<1x64xf32, #tpu.memory_space<vmem>>, vector<1x64xf32>
    %add3A_79 = vector.broadcast %get3A_78 : vector<1x64xf32> to vector<1000x64xf32>
    %add3A_80 = arith.addf %dot_general3A_75, %add3A_79 : vector<1000x64xf32>
    %mul3A_81 = arith.constant 0.00999999977 : f32
    %mul3A_82 = vector.broadcast %mul3A_81 : f32 to vector<1000x64xf32>
    %mul3A_83 = arith.mulf %add3A_80, %mul3A_82 : vector<1000x64xf32>
    %max3A_84 = arith.maximumf %add3A_80, %mul3A_83 : vector<1000x64xf32>
    %get3A_85 = arith.constant 0 : index
    %get3A_86 = arith.constant 0 : index
    %get3A_87 = vector.load %arg14[%get3A_85, %get3A_86] : memref<64x128xf32, #tpu.memory_space<vmem>>, vector<64x128xf32>
    %dot_general3A_88 = arith.constant dense<0.000000e+00> : vector<1000x128xf32>
    %dot_general3A_89 = tpu.matmul %max3A_84, %get3A_87, %dot_general3A_88 {dimension_numbers = #tpu.dot_dimension_numbers<[1], [0], [0], [1], [0, 0, 1, 1], [], []>, transpose_lhs_hint = false} : vector<1000x64xf32>, vector<64x128xf32>, vector<1000x128xf32> -> vector<1000x128xf32>
    %get3A_90 = arith.constant 0 : index
    %get3A_91 = arith.constant 0 : index
    %get3A_92 = vector.load %arg15[%get3A_90, %get3A_91] : memref<1x128xf32, #tpu.memory_space<vmem>>, vector<1x128xf32>
    %add3A_93 = vector.broadcast %get3A_92 : vector<1x128xf32> to vector<1000x128xf32>
    %add3A_94 = arith.addf %dot_general3A_89, %add3A_93 : vector<1000x128xf32>
    %swap3A = arith.constant 0 : index
    %swap3A_95 = arith.constant 0 : index
    %swap3A_96 = vector.load %arg16[%swap3A, %swap3A_95] : memref<1000x128xf32, #tpu.memory_space<vmem>>, vector<1000x128xf32>
    tpu.vector_store %arg16[%swap3A, %swap3A_95], %add3A_94 {strides = array<i32>} : memref<1000x128xf32, #tpu.memory_space<vmem>>, vector<1000x128xf32>,
    return
  }
  func.func @transform_0(%arg0: i32) -> (i32, i32) {
    %c0_i32 = arith.constant 0 : i32
    %c0_i32_0 = arith.constant 0 : i32
    return %arg0, %c0_i32 : i32, i32
  }
  func.func @transform_1(%arg0: i32) -> (i32, i32, i32) {
    %c0_i32 = arith.constant 0 : i32
    %c0_i32_0 = arith.constant 0 : i32
    %c0_i32_1 = arith.constant 0 : i32
    return %c0_i32, %arg0, %c0_i32_0 : i32, i32, i32
  }
  func.func @transform_2(%arg0: i32) -> (i32, i32, i32) {
    %c0_i32 = arith.constant 0 : i32
    %c0_i32_0 = arith.constant 0 : i32
    %c0_i32_1 = arith.constant 0 : i32
    return %c0_i32, %arg0, %c0_i32_0 : i32, i32, i32
  }
  func.func @transform_3(%arg0: i32) -> (i32, i32) {
    %c0_i32 = arith.constant 0 : i32
    %c0_i32_0 = arith.constant 0 : i32
    %c0_i32_1 = arith.constant 0 : i32
    return %c0_i32, %c0_i32_0 : i32, i32
  }
  func.func @transform_4(%arg0: i32) -> (i32, i32) {
    %c0_i32 = arith.constant 0 : i32
    %c0_i32_0 = arith.constant 0 : i32
    %c0_i32_1 = arith.constant 0 : i32
    return %c0_i32, %c0_i32_0 : i32, i32
  }
  func.func @transform_5(%arg0: i32) -> (i32, i32) {
    %c0_i32 = arith.constant 0 : i32
    %c0_i32_0 = arith.constant 0 : i32
    %c0_i32_1 = arith.constant 0 : i32
    return %c0_i32, %c0_i32_0 : i32, i32
  }
  func.func @transform_6(%arg0: i32) -> (i32, i32) {
    %c0_i32 = arith.constant 0 : i32
    %c0_i32_0 = arith.constant 0 : i32
    %c0_i32_1 = arith.constant 0 : i32
    return %c0_i32, %c0_i32_0 : i32, i32
  }
  func.func @transform_7(%arg0: i32) -> (i32, i32) {
    %c0_i32 = arith.constant 0 : i32
    %c0_i32_0 = arith.constant 0 : i32
    %c0_i32_1 = arith.constant 0 : i32
    return %c0_i32, %c0_i32_0 : i32, i32
  }
  func.func @transform_8(%arg0: i32) -> (i32, i32) {
    %c0_i32 = arith.constant 0 : i32
    %c0_i32_0 = arith.constant 0 : i32
    %c0_i32_1 = arith.constant 0 : i32
    return %c0_i32, %c0_i32_0 : i32, i32
  }
  func.func @transform_9(%arg0: i32) -> (i32, i32) {
    %c0_i32 = arith.constant 0 : i32
    %c0_i32_0 = arith.constant 0 : i32
    %c0_i32_1 = arith.constant 0 : i32
    return %c0_i32, %c0_i32_0 : i32, i32
  }
  func.func @transform_10(%arg0: i32) -> (i32, i32) {
    %c0_i32 = arith.constant 0 : i32
    %c0_i32_0 = arith.constant 0 : i32
    %c0_i32_1 = arith.constant 0 : i32
    return %c0_i32, %c0_i32_0 : i32, i32
  }
  func.func @transform_11(%arg0: i32) -> (i32, i32) {
    %c0_i32 = arith.constant 0 : i32
    %c0_i32_0 = arith.constant 0 : i32
    %c0_i32_1 = arith.constant 0 : i32
    return %c0_i32, %c0_i32_0 : i32, i32
  }
  func.func @transform_12(%arg0: i32) -> (i32, i32) {
    %c0_i32 = arith.constant 0 : i32
    %c0_i32_0 = arith.constant 0 : i32
    %c0_i32_1 = arith.constant 0 : i32
    return %c0_i32, %c0_i32_0 : i32, i32
  }
  func.func @transform_13(%arg0: i32) -> (i32, i32) {
    %c0_i32 = arith.constant 0 : i32
    %c0_i32_0 = arith.constant 0 : i32
    %c0_i32_1 = arith.constant 0 : i32
    return %c0_i32, %c0_i32_0 : i32, i32
  }
  func.func @transform_14(%arg0: i32) -> (i32, i32) {
    %c0_i32 = arith.constant 0 : i32
    %c0_i32_0 = arith.constant 0 : i32
    %c0_i32_1 = arith.constant 0 : i32
    return %c0_i32, %c0_i32_0 : i32, i32
  }
  func.func @transform_15(%arg0: i32) -> (i32, i32) {
    %c0_i32 = arith.constant 0 : i32
    %c0_i32_0 = arith.constant 0 : i32
    return %arg0, %c0_i32 : i32, i32
  }
}

</mosaic_0001>

<sc_bundles>
// kernel: kernel.10.cloned.1.call-start
scs
__scs_entry_jumppad:
0x0: {  	(pc) =	sbr.rel $0x88, $3  }
0x1: {  	(tag) =	ssettag $0x0;
	lr =	simm.s32 $0x1  }
0x2: {  	[smem:$0x3F8A] =	sst lr;
	_ =	strace $0xD0000000  }
0x3: {  	_ = 	snop  }
0x4: {  	_ = 	snop  }
0x5: {  	_ = 	snop  }
0x6: {  	_ = 	snop  }
0x7: {  	_ = 	snop  }
__scs_overlays_trampoline_lowered:
0x8: {  	[smem:$0x3F99] =	sst s0  }
0x9: {  	[smem:$0x3F9A] =	sst s1  }
0xa: {  	[smem:$0x3F9B] =	sst s2  }
0xb: {  	[smem:$0x3F9C] =	sst s3  }
0xc: {  	[smem:$0x3F9D] =	sst s4  }
0xd: {  	[smem:$0x3F9E] =	sst s5  }
0xe: {  	[smem:$0x3F9F] =	sst s6  }
0xf: {  	[smem:$0x3FA0] =	sst s7  }
0x10: {  	[smem:$0x3FA1] =	sst s8  }
0x11: {  	[smem:$0x3FA2] =	sst s9;
	s0 =	simm.s32 @!p0 $0x0  }
0x12: {  	s1 =	sld [smem:$0x3F88];
	s0 =	simm.s32 @p0 $0x1  }
0x13: {  	[smem:$0x3FA3] =	sst s0;
	s0 =	simm.s32 @!p1 $0x0  }
0x14: {  	s2 =	sld [smem:$0x3F87];
	s0 =	simm.s32 @p1 $0x1  }
0x15: {  	[smem:$0x3FA4] =	sst s0;
	s0 =	simm.s32 @!p2 $0x0  }
0x16: {  	s3 =	sld [smem:$0x3FDB];
	s0 =	simm.s32 @p2 $0x1  }
0x17: {  	s4 =	simm.s32 $0x1BF5;
	[smem:$0x3FA6] =	sst s0  }
0x18: {  	s0 =	sld [smem:$0x3F89];
	_ =	swait.ge [sflag:s4], $0x0  }
0x19: {  	s7 =	sld [smem:$0x3F8A]  }
0x1a: {  	s8 =	sadd.s32 $0xFFFFE003, lr  }
0x1b: {  	s9 =	sadd.s32 $0xFFFFFEF7, lr;
	s5 =	simm.s32 $0xFFFFFFFF;
	p2 =	slt.u32 s8, $0xFFFFF086  }
0x1c: {  	p1 =	slt.u32 s9, $0xF7A;
	s5 =	simm.s32 @!p2 $0x0  }
0x1d: {  	s5 =	simm.s32 @p1 $0x1;
	p0 =	seq.s32 s7, s2  }
0x1e: {  	s7 =	smul.u32 @!p0 $0xF7A, s2;
	p2 =	seq.s32 @!p0 s5, $0x0  }
0x1f: {  	s9 =	smul.u32 $0xF7A, s1;
	s8 =	simm.s32 @!p0 $0x1BF5;
	p2 =	por !p2, p0  }
0x20: {  	[sflag:s8] =	ssyncset.s32 @!p0 $0xFFFFF086;
	s6 =	sadd.s32 @!p0 s3, s7;
	s7 =	simm.s32 @!p0 $0x108  }
0x21: {  	s3 =	sadd.s32 s3, s9;
	s6 =	sadd.s32 @!p0 $0x88, s6;
	s7 =	simm.s32 @p2 $0x1082  }
0x22: {  	[simem:s7], [sflag:s8] =	dma.local @!p0 [hbm:s6], $0xF7A  }
0x23: {  	s9 =	sor.u32 $0xD0000000, s2;
	s6 =	simm.s32 $0x108;
	_ =	swait.ge @!p0 [sflag:s8], $0x0  }
0x24: {  	s3 =	sadd.s32 $0x88, s3;
	s6 =	simm.s32 @!p1 $0x1082;
	[sflag:s4] =	ssyncset.s32 $0xFFFFF086  }
0x25: {  	[simem:s6], [sflag:s4] =	dma.local [hbm:s3], $0xF7A  }
0x26: {  	[smem:$0x3F8A] =	sst s1;
	(tag) =	ssettag s2;
	_ =	strace s9  }
0x27: {  	s1 =	sld [smem:$0x3F9A]  }
0x28: {  	s2 =	sld [smem:$0x3F9B]  }
0x29: {  	s4 =	sld [smem:$0x3F9D]  }
0x2a: {  	p0 =	seq.s32 s5, $0x0;
	s5 =	sld [smem:$0x3F9E]  }
0x2b: {  	s6 =	sld [smem:$0x3F9F]  }
0x2c: {  	s7 =	sld [smem:$0x3FA0]  }
0x2d: {  	s3 =	simm.s32 $0x108;
	s8 =	sld [smem:$0x3FA1]  }
0x2e: {  	s3 =	simm.s32 @!p0 $0x1082;
	s9 =	sld [smem:$0x3FA2]  }
0x2f: {  	lr =	sadd.s32 s0, s3;
	s0 =	sld [smem:$0x3F99]  }
0x30: {  	s3 =	sld [smem:$0x3F9C]  }
0x31: {  	[smem:$0x3FA5] =	sst s10  }
0x32: {  	s10 =	sld [smem:$0x3FA3];
	_ =	sdelay $0x3  }
0x33: {  	p0 =	seq.s32 s10, $0x1;
	s10 =	sld [smem:$0x3FA5];
	_ =	sdelay $0x3  }
0x34: {  	[smem:$0x3FA5] =	sst s10  }
0x35: {  	s10 =	sld [smem:$0x3FA4];
	_ =	sdelay $0x3  }
0x36: {  	p1 =	seq.s32 s10, $0x1;
	s10 =	sld [smem:$0x3FA5];
	_ =	sdelay $0x3  }
0x37: {  	[smem:$0x3FA5] =	sst s10  }
0x38: {  	s10 =	sld [smem:$0x3FA6]  }
0x39: {  	_ = 	snop;
	(pc) =	sbr.ind lr, $3  }
0x3a: {  	_ = 	snop  }
0x3b: {  	_ = 	snop  }
0x3c: {  	p2 =	seq.s32 s10, $0x1;
	s10 =	sld [smem:$0x3FA5]  }
0x3d: {  	_ =	shalt  }
0x3e: {  	_ =	shalt  }
0x3f: {  	_ =	shalt  }
0x40: {  	_ =	shalt  }
0x41: {  	_ =	shalt  }
0x42: {  	_ =	shalt  }
0x43: {  	_ =	shalt  }
0x44: {  	_ =	shalt  }
0x45: {  	_ =	shalt  }
0x46: {  	_ =	shalt  }
0x47: {  	_ =	shalt  }
0x48: {  	_ =	shalt  }
0x49: {  	_ =	shalt  }
0x4a: {  	_ =	shalt  }
0x4b: {  	_ =	shalt  }
0x4c: {  	_ =	shalt  }
0x4d: {  	_ =	shalt  }
0x4e: {  	_ =	shalt  }
0x4f: {  	_ =	shalt  }
0x50: {  	_ =	shalt  }
0x51: {  	_ =	shalt  }
0x52: {  	_ =	shalt  }
0x53: {  	_ =	shalt  }
0x54: {  	_ =	shalt  }
0x55: {  	_ =	shalt  }
0x56: {  	_ =	shalt  }
0x57: {  	_ =	shalt  }
0x58: {  	_ =	shalt  }
0x59: {  	_ =	shalt  }
0x5a: {  	_ =	shalt  }
0x5b: {  	_ =	shalt  }
0x5c: {  	_ =	shalt  }
0x5d: {  	_ =	shalt  }
0x5e: {  	_ =	shalt  }
0x5f: {  	_ =	shalt  }
0x60: {  	_ =	shalt  }
0x61: {  	_ =	shalt  }
0x62: {  	_ =	shalt  }
0x63: {  	_ =	shalt  }
0x64: {  	_ =	shalt  }
0x65: {  	_ =	shalt  }
0x66: {  	_ =	shalt  }
0x67: {  	_ =	shalt  }
0x68: {  	_ =	shalt  }
0x69: {  	_ =	shalt  }
0x6a: {  	_ =	shalt  }
0x6b: {  	_ =	shalt  }
0x6c: {  	_ =	shalt  }
0x6d: {  	_ =	shalt  }
0x6e: {  	_ =	shalt  }
0x6f: {  	_ =	shalt  }
0x70: {  	_ =	shalt  }
0x71: {  	_ =	shalt  }
0x72: {  	_ =	shalt  }
0x73: {  	_ =	shalt  }
0x74: {  	_ =	shalt  }
0x75: {  	_ =	shalt  }
0x76: {  	_ =	shalt  }
0x77: {  	_ =	shalt  }
0x78: {  	_ =	shalt  }
0x79: {  	_ =	shalt  }
0x7a: {  	_ =	shalt  }
0x7b: {  	_ =	shalt  }
0x7c: {  	_ =	shalt  }
0x7d: {  	_ =	shalt  }
0x7e: {  	_ =	shalt  }
0x7f: {  	_ =	shalt  }
0x80: {  	_ =	shalt  }
0x81: {  	_ =	shalt  }
0x82: {  	_ =	shalt  }
0x83: {  	_ =	shalt  }
0x84: {  	_ =	shalt  }
0x85: {  	_ =	shalt  }
0x86: {  	_ =	shalt  }
0x87: {  	_ =	shalt  }
.Lfunc_end0:
.L_simem_size_0:
called_computation.1_lowered:
.L_overlay_start_0:
0x88: {  	s2 =	sld [smem:$0x3FD9]  }
0x89: {  	s3 =	sld [smem:$0x3FFE];
	_ =	sdelay $0x1  }
0x8a: {  	s1 =	srdreg.scid  }
0x8b: {  	s0 =	sand.u32 $0x1, s1  }
0x8c: {  	s17 =	sshll.u32 s0, $0xA;
	s2 =	sadd.s32 s3, s2  }
0x8d: {  	s2 =	sadd.s32 s2, s17  }
0x8e: {  	[smem:$0x3FB1] =	sst s2  }
0x8f: {  	_ = 	snop  }
0x90: {  	s2 =	sld [smem:$0x3FD0];
	(tm) =	ssettm $0x1  }
0x91: {  	s18 =	sld [smem:$0x3FFB];
	_ =	sdelay $0x3  }
0x92: {  	_ =	strace s18  }
0x93: {  	s3 =	sld [smem:$0x3FFC];
	_ =	sdelay $0x3  }
0x94: {  	_ =	strace s3  }
0x95: {  	s3 =	sld [smem:$0x3FFD];
	_ =	sdelay $0x3  }
0x96: {  	_ =	strace s3  }
0x97: {  	_ =	strace $0x8FFFFFFF  }
0x98: {  	s19 =	sld [smem:$0x3FDB];
	_ =	sdelay $0x1  }
0x99: {  	s4 =	simm.s32 $_scs_section_size  }
0x9a: {  	s5 =	simm.s32 $_size__tile_overlayer_lowered;
	s6 =	simm.s32 $_tile_overlayer_lowered  }
0x9b: {  	s22 =	simm.s32 $0x1BFF;
	s21 =	sshll.u32 s6, $0x1;
	s3 =	sadd.s32 s4, s19  }
0x9c: {  	s7 =	simm.s32 $0x0;
	s20 =	sshll.u32 s5, $0x1;
	s5 =	sadd.s32 s21, s3  }
0x9d: {  	[timem:s7], [sflag:s22] =	dma.local [hbm:s5], s20  }
0x9e: {  	_ =	swait.ge [sflag:s22], s20  }
0x9f: {  	s4 =	ssub.s32 $0x0, s20;
	[sflag:s22] =	ssyncset.done $0x0  }
0xa0: {  	[sflag:s22] =	ssyncadd.s32 s4;
	_ =	sdelay $0x1  }
0xa1: {  	s23 =	simm.s32 $0x1B8B  }
0xa2: {  	_ =	swait.ge [sflag:s23], $0x1  }
0xa3: {  	[sflag:s23] =	ssyncset.done $0x0  }
0xa4: {  	s25 =	simm.s32 $0x1B8E;
	s24 =	sld [smem:$0x3FFE];
	[sflag:s23] =	ssyncadd.s32 $0xFFFFFFFF  }
0xa5: {  	s26 =	simm.s32 $execute0_lowered;
	[smem:$0x3FD2] =	sst s25  }
0xa6: {  	s5 =	sshll.u32 s26, $0x1;
	_ =	strace $0x80000046;
	[dreg:$0x1] =	wrdreg $0xFFFFFFFF  }
0xa7: {  	s28 =	simm.s32 $_size_execute0_lowered;
	s3 =	sadd.s32 s3, s5;
	[dreg:$0x0] =	wrdreg $0x0  }
0xa8: {  	s5 =	sshll.u32 s28, $0x1;
	[dreg:$0x2] =	wrdreg s3  }
0xa9: {  	[dreg:$0x3] =	wrdreg s5  }
0xaa: {  	[dreg:$0x4] =	wrdreg $0xC0  }
0xab: {  	_ =	task [dreg:s7], $0x5FFFF  }
0xac: {  	[dreg:$0x1] =	wrdreg $0xFFFFFFFF  }
0xad: {  	[dreg:$0x0] =	wrdreg $0x60  }
0xae: {  	[dreg:$0x2] =	wrdreg s24  }
0xaf: {  	[dreg:$0x3] =	wrdreg s2  }
0xb0: {  	[dreg:$0x4] =	wrdreg $0x78000  }
0xb1: {  	[dreg:$0x5] =	wrdreg $0xA  }
0xb2: {  	_ =	task.clear_ibuf [dreg:s7], $0x6FFFF;
	_ =	strace $0x90000046  }
0xb3: {  	s29 =	simm.s32 $0xA;
	_ =	strace $0x80000048  }
0xb4: {  	_ =	swait.ge [sflag:s29], $0x1  }
0xb5: {  	[sflag:s29] =	ssyncadd.s32 $0xFFFFFFFF  }
0xb6: {  	_ =	strace $0x90000048  }
0xb7: {  	_ =	sfence  }
0xb8: {  	s30 =	sld [smem:$0x0];
	_ =	sdelay $0x2  }
0xb9: {  	s31 =	sshll.u32 s1, $0xD;
	s1 =	sshrl.u32 s1, $0x2  }
0xba: {  	s3 =	sand.u32 $0x4000, s31;
	s1 =	sadd.s32 s1, s30  }
0xbb: {  	s0 =	sor.u32 s3, s0;
	s1 =	sshll.u32 s1, $0x11  }
0xbc: {  	s0 =	sor.u32 s1, s0  }
0xbd: {  	s0 =	sadd.s32 $0x8F2B, s0  }
0xbe: {  	[sflag:s0] =	ssyncadd.remote.s32 $0x1  }
0xbf: {  	_ =	sfence.sel $0xFFFF  }
0xc0: {  	[dreg:$0x0] =	wrdreg $0xFFFFFFFF;
	(pc) =	sbr.abs _section_cstart, $3  }
0xc1: {  	[dreg:$0x1] =	wrdreg $0xFFFFFFFF  }
0xc2: {  	_ =	task.clear_ibuf [dreg:s7], $0x2FFFF;
	_ =	strace $0x9FFFFFFF  }
0xc3: {  	(tm) =	ssettm $0x7FFFFFFF  }
tec
execute0_lowered:
.L_overlay_start_1:
0x0: {  	(tag) =	ssettag $0x1  }
0x1: {  	s0 =	rddreg [dreg:$0x0]  }
0x2: {  	s1 =	rddreg [dreg:$0x1]  }
0x3: {  	s2 =	rddreg [dreg:$0x2];
	s3 =	simm.s32 $0x0;
	s21 =	srdreg.scid  }
0x4: {  	s15 =	stileid.u32;
	s18 =	simm.s32 $0x4;
	s28 =	simm.s32 $0x1800  }
0x5: {  	s29 =	simm.s32 $0x3800;
	s30 =	simm.s32 $0x5800;
	s31 =	simm.s32 $0x1  }
0x6: {  	s16 =	simm.s32 $0x0;
	s4 =	sadd.s32 $0x4E5800, s0;
	s20 =	sadd.s32 $0x4F9800, s0  }
0x7: {  	[smem:$0x7FF] =	sst s3;
	s7 =	sadd.s32 $0x50D800, s0;
	s10 =	smul.u32 $0x271, s15  }
0x8: {  	s8 =	sadd.s32 $0x534A00, s0;
	s5 =	sshll.u32 s15, $0x1;
	s22 =	smul.u32 $0x13800, s15  }
0x9: {  	s9 =	sadd.s32 $0x3800, s0;
	s0 =	sadd.s32 $0x3A00, s0;
	s24 =	smul.u32 $0x4E000, s15  }
0xa: {  	_ =	strace $0x80000047;
	[dreg:$0x4] =	wrdreg s4;
	s4 =	sand.u32 $0x1, s21  }
0xb: {  	s5 =	sor.u32 s4, s5;
	s6 =	ssub.s32 $0x2, s4;
	s4 =	smul.u32 $0x138800, s4  }
0xc: {  	s13 =	sshll.u32 s15, $0x6;
	p0 =	slt.u32 s15, $0xC;
	s12 =	smul.u32 $0x2700, s5  }
0xd: {  	[dreg:$0x5] =	wrdreg s20;
	s11 =	sshrl.u32 s6, $0x1;
	s14 =	smul.u32 $0x2740, s5  }
0xe: {  	s25 =	sshrl.u32 s24, $0x2;
	s5 =	smul.u32 $0x5000, s5;
	s6 =	ssub.s32 s6, s11  }
0xf: {  	s11 =	sor.u32 $0x1C04, s13;
	s23 =	sadd.s32 s22, s4;
	s4 =	sshrl.u32 s4, $0x3  }
0x10: {  	s13 =	sadd.s32 $0x1FFFA00, s14;
	[dreg:$0x7] =	wrdreg s5;
	s5 =	sshrl.u32 s23, $0x3  }
0x11: {  	s26 =	smax.u32 s6, $0x1;
	s13 =	smov.u32 @p0 s12;
	s12 =	simm.s32 $0x9C  }
0x12: {  	s5 =	sadd.s32 s0, s5;
	s0 =	sadd.s32 s0, s4;
	[dreg:$0xb] =	wrdreg s26  }
0x13: {  	s4 =	sadd.s32 s25, s2;
	s12 =	simm.s32 @!p0 $0x9D;
	[dreg:$0x9] =	wrdreg s5  }
0x14: {  	s13 =	sshll.u32 s13, $0x7;
	s0 =	sadd.s32 $0x24900, s0;
	[dreg:$0x6] =	wrdreg s12  }
0x15: {  	p0 =	seq.s32 s15, $0xF;
	[dreg:$0xa] =	wrdreg s0;
	s0 =	sadd.s32 $0x124800, s2  }
0x16: {  	s26 =	simm.s32 $0x40;
	[dreg:$0x8] =	wrdreg s13;
	s0 =	sshrl.u32 @p0 s0, $0x3  }
0x17: {  	s12 =	simm.s32 $0x0;
	[dreg:$0xc] =	wrdreg s0;
	s0 =	sshrl.u32 @!p0 s4, $0x3  }
0x18: {  	s4 =	simm.s32 $0x3;
	[dreg:$0xd] =	wrdreg s0;
	s0 =	simm.s32 $0x2  }
.LBB2_1:
0x19: {  	s5 =	sadd.s32 $0x0, s10  }
0x1a: {  	p1 =	slt.s32 s5, $0x2708  }
0x1b: {  	s5 =	simm.s32 @!p1 $0x2708  }
0x1c: {  	s6 =	sadd.s32 $0x8, s10;
	s5 =	sshll.u32 s5, $0x7  }
0x1d: {  	p1 =	slt.s32 s6, $0x2708;
	s5 =	sand.u32 $0x3FFFFF80, s5  }
0x1e: {  	s6 =	simm.s32 @!p1 $0x2708;
	s5 =	sadd.s32 s5, s2  }
0x1f: {  	[dreg:$0xe] =	wrdreg s12;
	s6 =	sshll.u32 s6, $0x7;
	s5 =	sshrl.u32 s5, $0x3  }
0x20: {  	[spmem:s5], [sflag:s11] =	dma.local [hbm:s9], $0x80  }
0x21: {  	s6 =	sand.u32 $0x3FFFFF80, s6;
	s5 =	simm.s32 $0x10;
	_ =	swait.ge [sflag:s18], $0x80  }
.LBB2_2:
0x22: {  	s12 =	sadd.s32 s5, s10  }
0x23: {  	s6 =	sadd.s32 s6, s2;
	p1 =	slt.s32 s12, $0x2708  }
0x24: {  	[sflag:s18] =	ssyncset.done $0x0;
	s12 =	simm.s32 @!p1 $0x2708;
	p1 =	sne.s32 s5, $0x270  }
.Ltmp0:
0x25: {  	s6 =	sshrl.u32 s6, $0x3;
	[sflag:s18] =	ssyncadd.s32 $0xFFFFFF80;
	(pc) =	sbr.rel @p1 .LBB2_2-.Ltmp0, $4  }
0x26: {  	[spmem:s6], [sflag:s11] =	dma.local [hbm:s9], $0x80  }
0x27: {  	_ = 	snop  }
0x28: {  	s5 =	sadd.s32 $0x8, s5;
	s6 =	sshll.u32 s12, $0x7  }
0x29: {  	s6 =	sand.u32 $0x3FFFFF80, s6;
	_ =	swait.ge [sflag:s18], $0x80  }
0x2a: {  	s5 =	sadd.s32 s6, s2;
	[sflag:s18] =	ssyncset.done $0x0  }
0x2b: {  	s5 =	sshrl.u32 s5, $0x3;
	[sflag:s18] =	ssyncadd.s32 $0xFFFFFF80  }
0x2c: {  	[spmem:s5], [sflag:s11] =	dma.local [hbm:s9], $0x80  }
0x2d: {  	_ =	swait.ge [sflag:s18], $0x80  }
0x2e: {  	[sflag:s18] =	ssyncset.done $0x0  }
0x2f: {  	[sflag:s18] =	ssyncadd.s32 $0xFFFFFF80  }
0x30: {  	[bflag:$0x0] =	sbarrier.arrive $0xFFFF  }
0x31: {  	s24 =	simm.s32 $0x0;
	s17 =	rddreg [dreg:$0x6]  }
.LBB2_4:
0x32: {  	s5 =	sshll.u32 s24, $0xB;
	s6 =	rddreg [dreg:$0x7]  }
0x33: {  	s5 =	sadd.s32 s6, s5  }
0x34: {  	s12 =	rddreg [dreg:$0x4];
	s5 =	sshrl.u32 s5, $0x3  }
0x35: {  	s23 =	sadd.s32 s12, s5  }
0x36: {  	[tilespmem:s16], [sflag:$0x4] =	stream.linear.gather [hbm4b:s23+s16], $0x400, $0x38;
	[tilespmem:$0x1B080] =	vst v63  }
0x37: {  	_ =	swait.ge [sflag:s18], $0x400  }
0x38: {  	[sflag:s18] =	ssyncset.done $0x0;
	s13 =	rddreg [dreg:$0x5]  }
0x39: {  	s14 =	simm.s32 $0x800;
	[sflag:s18] =	ssyncadd.s32 $0xFFFFFC00;
	s25 =	sadd.s32 s13, s5  }
0x3a: {  	[tilespmem:s14], [sflag:$0x4] =	stream.linear.gather [hbm4b:s25+s16], $0x400, $0x38;
	[tilespmem:$0x1B080] =	vst v63  }
0x3b: {  	_ =	swait.ge [sflag:s18], $0x400  }
0x3c: {  	[sflag:s18] =	ssyncset.done $0x0  }
0x3d: {  	s15 =	simm.s32 $0x1000;
	[sflag:s18] =	ssyncadd.s32 $0xFFFFFC00  }
0x3e: {  	[tilespmem:s15], [sflag:$0x4] =	stream.linear.gather [hbm4b:s25+s16], $0x400, $0x38;
	[tilespmem:$0x1B080] =	vst v63  }
0x3f: {  	_ =	swait.ge [sflag:s18], $0x400  }
0x40: {  	s5 =	sor.u32 $0x80, s5;
	[sflag:s18] =	ssyncset.done $0x0  }
0x41: {  	s20 =	simm.s32 $0x400;
	s19 =	sadd.s32 s12, s5;
	[sflag:s18] =	ssyncadd.s32 $0xFFFFFC00  }
0x42: {  	[tilespmem:s20], [sflag:$0x4] =	stream.linear.gather [hbm4b:s19+s16], $0x400, $0x38;
	[tilespmem:$0x1B080] =	vst v63  }
0x43: {  	_ =	swait.ge [sflag:s18], $0x400  }
0x44: {  	[sflag:s18] =	ssyncset.done $0x0  }
0x45: {  	s21 =	simm.s32 $0xC00;
	s5 =	sadd.s32 s13, s5;
	[sflag:s18] =	ssyncadd.s32 $0xFFFFFC00  }
0x46: {  	[tilespmem:s21], [sflag:$0x4] =	stream.linear.gather [hbm4b:s5+s16], $0x400, $0x38;
	[tilespmem:$0x1B080] =	vst v63  }
0x47: {  	_ =	swait.ge [sflag:s18], $0x400  }
0x48: {  	[sflag:s18] =	ssyncset.done $0x0  }
0x49: {  	s22 =	simm.s32 $0x1400;
	p1 =	slt.s32 s17, $0x10;
	[sflag:s18] =	ssyncadd.s32 $0xFFFFFC00  }
0x4a: {  	[tilespmem:s22], [sflag:$0x4] =	stream.linear.gather [hbm4b:s5+s16], $0x400, $0x38;
	[tilespmem:$0x1B080] =	vst v63  }
0x4b: {  	s23 =	sshll.u32 s24, $0x11;
	s12 =	smov.u32 s17;
	_ =	swait.ge [sflag:s18], $0x400  }
0x4c: {  	s12 =	simm.s32 @!p1 $0x10;
	[sflag:s18] =	ssyncset.done $0x0;
	s25 =	rddreg [dreg:$0x8]  }
0x4d: {  	s15 =	simm.s32 $0x0;
	[sflag:s18] =	ssyncadd.s32 $0xFFFFFC00;
	s25 =	sadd.s32 s25, s23  }
.LBB2_5:
0x4e: {  	s19 =	sshll.u32 s15, $0x7  }
0x4f: {  	[tilespmem:s28], [sflag:$0x1] =	stream.indirect.gather [hbm4b:s1+s26], $0x80, s19, s26, $0xb8;
	[tilespmem:$0x1B080] =	vst v63  }
0x50: {  	s23 =	sshll.u32 s15, $0xD;
	s5 =	sadd.s32 $0x800, s19  }
0x51: {  	[tilespmem:s29], [sflag:$0x2] =	stream.indirect.gather [hbm4b:s7+s26], $0x80, s5, s26, $0xb8;
	[tilespmem:$0x1B080] =	vst v63  }
0x52: {  	s5 =	sadd.s32 s25, s23  }
0x53: {  	s5 =	sshrl.u32 s5, $0x3  }
0x54: {  	s5 =	sadd.s32 s8, s5  }
0x55: {  	[tilespmem:s30], [sflag:$0x3] =	stream.linear.gather [hbm4b:s5+s3], $0x2000, $0x38;
	[tilespmem:$0x1B080] =	vst v63  }
0x56: {  	_ =	swait.ge [sflag:s31], $0x2000  }
0x57: {  	[sflag:s31] =	ssyncset.done $0x0  }
0x58: {  	[sflag:s31] =	ssyncadd.s32 $0xFFFFE000  }
0x59: {  	_ =	swait.ge [sflag:s0], $0x2000  }
0x5a: {  	[sflag:s0] =	ssyncset.done $0x0  }
0x5b: {  	[sflag:s0] =	ssyncadd.s32 $0xFFFFE000  }
0x5c: {  	_ =	swait.ge [sflag:s4], $0x2000  }
0x5d: {  	[sflag:s4] =	ssyncset.done $0x0  }
0x5e: {  	s20 =	simm.s32 $0x1900;
	[sflag:s4] =	ssyncadd.s32 $0xFFFFE000  }
0x5f: {  	s14 =	simm.s32 $0x3900;
	v0 =	vld [tilespmem:s20+$0x80]  }
0x60: {  	s13 =	simm.s32 $0x5900;
	v1 =	vld [tilespmem:s14+$0x80]  }
0x61: {  	v2 =	vld [tilespmem:s13+$0x80]  }
0x62: {  	v3 =	vld [tilespmem:s20+$0xFFFFFF80]  }
0x63: {  	v4 =	vld [tilespmem:s20+$0x0]  }
0x64: {  	v6 =	vld [tilespmem:s20+$0xFFFFFF00]  }
0x65: {  	v7 =	vld [tilespmem:s13+$0xFFFFFF00]  }
0x66: {  	v9 =	vld [tilespmem:s14+$0x0]  }
0x67: {  	v11 =	vld [tilespmem:s20+$0x10]  }
0x68: {  	v12 =	vld [tilespmem:s20+$0xFFFFFF20]  }
0x69: {  	v15 =	vld [tilespmem:s20+$0x30]  }
0x6a: {  	v27 =	vld [tilespmem:s20+$0x40]  }
0x6b: {  	s21 =	simm.s32 $0x1B00;
	v29 =	vld [tilespmem:s20+$0xFFFFFF50]  }
0x6c: {  	s22 =	simm.s32 $0x3B00;
	v37 =	vld [tilespmem:s21+$0x80]  }
0x6d: {  	s23 =	simm.s32 $0x5B00;
	v38 =	vld [tilespmem:s22+$0x80]  }
0x6e: {  	v39 =	vld [tilespmem:s23+$0x80]  }
0x6f: {  	v17 =	vld [tilespmem:s22+$0xFFFFFF00]  }
0x70: {  	v40 =	vld [tilespmem:s21+$0xFFFFFF80]  }
0x71: {  	v18 =	vld [tilespmem:s22+$0xFFFFFF80]  }
0x72: {  	v41 =	vld [tilespmem:s21+$0x0]  }
0x73: {  	v19 =	vld [tilespmem:s22+$0x0]  }
0x74: {  	v21 =	vld [tilespmem:s21+$0xFFFFFF00]  }
0x75: {  	v22 =	vld [tilespmem:s23+$0xFFFFFF00]  }
0x76: {  	v42 =	vld [tilespmem:s23+$0xFFFFFF80]  }
0x77: {  	v43 =	vld [tilespmem:s21+$0x90]  }
0x78: {  	v24 =	vld [tilespmem:s23+$0x0]  }
0x79: {  	v45 =	vld [tilespmem:s21+$0xFFFFFF10]  }
0x7a: {  	v46 =	vld [tilespmem:s21+$0xFFFFFF90]  }
0x7b: {  	v25 =	vld [tilespmem:s21+$0x10];
	v0 =	vadd.f32 v1, v0  }
0x7c: {  	v48 =	vld [tilespmem:s21+$0xFFFFFFA0]  }
0x7d: {  	v49 =	vld [tilespmem:s21+$0x20];
	v0 =	vadd.f32 v2, v0  }
0x7e: {  	v57 =	vld [tilespmem:s21+$0xA0]  }
0x7f: {  	v1 =	vld [tilespmem:s14+$0xFFFFFF00];
	v5 =	vmul.f32 $9.999999770e-03, v0  }
0x80: {  	v2 =	vld [tilespmem:s14+$0xFFFFFF80]  }
0x81: {  	v17 =	vadd.f32 v17, v21;
	v0 =	vmax.f32 v0, v5;
	v5 =	vld [tilespmem:s13+$0xFFFFFF80]  }
0x82: {  	[tilespmem:s20+$0x80] =	vst v0;
	v0 =	vld [tilespmem:s20+$0x90]  }
0x83: {  	v17 =	vadd.f32 v22, v17;
	v8 =	vld [tilespmem:s14+$0x90]  }
0x84: {  	v62 =	vld [tilespmem:s21+$0xFFFFFF30];
	v1 =	vadd.f32 v1, v6  }
0x85: {  	v22 =	vmul.f32 $9.999999770e-03, v17;
	v2 =	vadd.f32 v2, v3;
	v3 =	vld [tilespmem:s13+$0x90]  }
0x86: {  	v6 =	vld [tilespmem:s13+$0x0];
	v1 =	vadd.f32 v7, v1  }
0x87: {  	v17 =	vmax.f32 v17, v22;
	v22 =	vld [tilespmem:s21+$0xFFFFFF60];
	v2 =	vadd.f32 v5, v2  }
0x88: {  	v7 =	vld [tilespmem:s20+$0xFFFFFF10];
	[tilespmem:s21+$0xFFFFFF00] =	vst v17;
	v10 =	vmul.f32 $9.999999770e-03, v1;
	v0 =	vadd.f32 v8, v0  }
0x89: {  	v50 =	vld [tilespmem:s22+$0xFFFFFF10];
	v8 =	vmul.f32 $9.999999770e-03, v2  }
0x8a: {  	v5 =	vld [tilespmem:s20+$0xFFFFFF90];
	v1 =	vmax.f32 v1, v10;
	v0 =	vadd.f32 v3, v0  }
0x8b: {  	[tilespmem:s20+$0xFFFFFF00] =	vst v1;
	v1 =	vadd.f32 v9, v4;
	v9 =	vld [tilespmem:s20+$0xA0];
	v2 =	vmax.f32 v2, v8  }
0x8c: {  	v4 =	vld [tilespmem:s14+$0xFFFFFF10];
	[tilespmem:s20+$0xFFFFFF80] =	vst v2;
	v2 =	vmul.f32 $9.999999770e-03, v0  }
0x8d: {  	v1 =	vadd.f32 v6, v1;
	v8 =	vld [tilespmem:s14+$0xFFFFFF90]  }
0x8e: {  	v6 =	vld [tilespmem:s13+$0xFFFFFF10];
	v0 =	vmax.f32 v0, v2  }
0x8f: {  	v2 =	vld [tilespmem:s13+$0xFFFFFF90];
	[tilespmem:s20+$0x90] =	vst v0;
	v0 =	vmul.f32 $9.999999770e-03, v1  }
0x90: {  	v10 =	vld [tilespmem:s14+$0xA0]  }
0x91: {  	v54 =	vld [tilespmem:s23+$0xFFFFFF10];
	v4 =	vadd.f32 v4, v7;
	v0 =	vmax.f32 v1, v0  }
0x92: {  	[tilespmem:s20+$0x0] =	vst v0;
	v0 =	vadd.f32 v8, v5;
	v5 =	vld [tilespmem:s13+$0xA0]  }
0x93: {  	v3 =	vld [tilespmem:s20+$0xFFFFFFA0];
	v4 =	vadd.f32 v6, v4  }
0x94: {  	v7 =	vld [tilespmem:s14+$0x10];
	v0 =	vadd.f32 v2, v0  }
0x95: {  	v1 =	vld [tilespmem:s20+$0x20];
	v8 =	vmul.f32 $9.999999770e-03, v4;
	v9 =	vadd.f32 v10, v9  }
0x96: {  	v6 =	vld [tilespmem:s13+$0x10];
	v13 =	vmul.f32 $9.999999770e-03, v0  }
0x97: {  	v2 =	vld [tilespmem:s20+$0xFFFFFF30];
	v4 =	vmax.f32 v4, v8;
	v5 =	vadd.f32 v5, v9  }
0x98: {  	v8 =	vld [tilespmem:s20+$0xFFFFFF40];
	[tilespmem:s20+$0xFFFFFF10] =	vst v4;
	v0 =	vmax.f32 v0, v13  }
0x99: {  	v9 =	vld [tilespmem:s14+$0xFFFFFF20];
	v7 =	vadd.f32 v7, v11;
	[tilespmem:s20+$0xFFFFFF90] =	vst v0;
	v0 =	vmul.f32 $9.999999770e-03, v5  }
0x9a: {  	v26 =	vld [tilespmem:s13+$0xFFFFFF20]  }
0x9b: {  	v11 =	vld [tilespmem:s14+$0xFFFFFFA0];
	v0 =	vmax.f32 v5, v0;
	v5 =	vadd.f32 v6, v7  }
0x9c: {  	v6 =	vld [tilespmem:s13+$0xFFFFFFA0]  }
0x9d: {  	[tilespmem:s20+$0xA0] =	vst v0;
	v0 =	vld [tilespmem:s20+$0xB0];
	v7 =	vmul.f32 $9.999999770e-03, v5  }
0x9e: {  	v9 =	vadd.f32 v9, v12;
	v14 =	vld [tilespmem:s14+$0xB0]  }
0x9f: {  	v10 =	vld [tilespmem:s20+$0xFFFFFFB0];
	v5 =	vmax.f32 v5, v7  }
0xa0: {  	v3 =	vadd.f32 v11, v3;
	v7 =	vld [tilespmem:s13+$0xB0];
	[tilespmem:s20+$0x10] =	vst v5;
	v5 =	vadd.f32 v26, v9  }
0xa1: {  	v4 =	vld [tilespmem:s20+$0xFFFFFFC0]  }
0xa2: {  	v26 =	vld [tilespmem:s21+$0xFFFFFF20];
	v3 =	vadd.f32 v6, v3;
	v11 =	vmul.f32 $9.999999770e-03, v5  }
0xa3: {  	v9 =	vld [tilespmem:s14+$0x20];
	v0 =	vadd.f32 v14, v0  }
0xa4: {  	v6 =	vld [tilespmem:s13+$0x20];
	v28 =	vmul.f32 $9.999999770e-03, v3;
	v5 =	vmax.f32 v5, v11  }
0xa5: {  	v0 =	vadd.f32 v7, v0;
	v7 =	vld [tilespmem:s20+$0xFFFFFFD0];
	[tilespmem:s20+$0xFFFFFF20] =	vst v5  }
0xa6: {  	v3 =	vmax.f32 v3, v28;
	v5 =	vld [tilespmem:s14+$0xFFFFFF30]  }
0xa7: {  	[tilespmem:s20+$0xFFFFFFA0] =	vst v3;
	v11 =	vld [tilespmem:s13+$0xFFFFFF30]  }
0xa8: {  	v3 =	vmul.f32 $9.999999770e-03, v0;
	v1 =	vadd.f32 v9, v1;
	v9 =	vld [tilespmem:s14+$0xFFFFFFB0]  }
0xa9: {  	v28 =	vld [tilespmem:s21+$0x30]  }
0xaa: {  	v0 =	vmax.f32 v0, v3;
	v1 =	vadd.f32 v6, v1;
	v6 =	vld [tilespmem:s13+$0xFFFFFFB0]  }
0xab: {  	[tilespmem:s20+$0xB0] =	vst v0;
	v0 =	vld [tilespmem:s20+$0xC0];
	v2 =	vadd.f32 v5, v2  }
0xac: {  	v30 =	vmul.f32 $9.999999770e-03, v1;
	v5 =	vld [tilespmem:s14+$0xC0]  }
0xad: {  	v3 =	vld [tilespmem:s20+$0x50];
	v9 =	vadd.f32 v9, v10;
	v2 =	vadd.f32 v11, v2  }
0xae: {  	v1 =	vmax.f32 v1, v30;
	v10 =	vld [tilespmem:s13+$0xC0]  }
0xaf: {  	[tilespmem:s20+$0x20] =	vst v1;
	v1 =	vld [tilespmem:s20+$0xFFFFFF60];
	v6 =	vadd.f32 v6, v9;
	v11 =	vmul.f32 $9.999999770e-03, v2  }
0xb0: {  	v9 =	vld [tilespmem:s14+$0x30]  }
0xb1: {  	v31 =	vld [tilespmem:s13+$0x30];
	v16 =	vmul.f32 $9.999999770e-03, v6;
	v5 =	vadd.f32 v5, v0;
	v2 =	vmax.f32 v2, v11  }
0xb2: {  	v0 =	vld [tilespmem:s20+$0xFFFFFFE0];
	[tilespmem:s20+$0xFFFFFF30] =	vst v2  }
0xb3: {  	v2 =	vmax.f32 v6, v16;
	v5 =	vadd.f32 v10, v5;
	v6 =	vld [tilespmem:s14+$0xFFFFFF40]  }
0xb4: {  	v16 =	vadd.f32 v19, v41;
	[tilespmem:s20+$0xFFFFFFB0] =	vst v2;
	v11 =	vld [tilespmem:s13+$0xFFFFFF40]  }
0xb5: {  	v2 =	vadd.f32 v9, v15;
	v9 =	vld [tilespmem:s14+$0xFFFFFFC0];
	v10 =	vmul.f32 $9.999999770e-03, v5  }
0xb6: {  	v32 =	vld [tilespmem:s13+$0xFFFFFFC0];
	v16 =	vadd.f32 v24, v16  }
0xb7: {  	v13 =	vadd.f32 v31, v2;
	v2 =	vmax.f32 v5, v10;
	v10 =	vld [tilespmem:s20+$0xD0]  }
0xb8: {  	v53 =	vmul.f32 $9.999999770e-03, v16;
	[tilespmem:s20+$0xC0] =	vst v2;
	v2 =	vld [tilespmem:s20+$0x60]  }
0xb9: {  	v6 =	vadd.f32 v6, v8;
	v8 =	vld [tilespmem:s14+$0xD0]  }
0xba: {  	v56 =	vmax.f32 v16, v53;
	v16 =	vld [tilespmem:s21+$0xFFFFFFC0]  }
0xbb: {  	v5 =	vmul.f32 $9.999999770e-03, v13;
	v53 =	vld [tilespmem:s21+$0xC0]  }
0xbc: {  	v4 =	vadd.f32 v9, v4;
	v9 =	vld [tilespmem:s13+$0xD0];
	[tilespmem:s21+$0x0] =	vst v56  }
0xbd: {  	v5 =	vmax.f32 v13, v5;
	v6 =	vadd.f32 v11, v6;
	v59 =	vld [tilespmem:s22+$0x10]  }
0xbe: {  	v13 =	vadd.f32 v38, v37;
	[tilespmem:s20+$0x30] =	vst v5;
	v61 =	vld [tilespmem:s23+$0x10];
	v4 =	vadd.f32 v32, v4  }
0xbf: {  	v11 =	vld [tilespmem:s14+$0x40];
	v5 =	vmul.f32 $9.999999770e-03, v6  }
0xc0: {  	v33 =	vld [tilespmem:s13+$0x40];
	v13 =	vadd.f32 v39, v13;
	v15 =	vmul.f32 $9.999999770e-03, v4  }
0xc1: {  	v6 =	vmax.f32 v6, v5;
	v5 =	vld [tilespmem:s20+$0xFFFFFF70]  }
0xc2: {  	v8 =	vadd.f32 v8, v10;
	v20 =	vmul.f32 $9.999999770e-03, v13;
	[tilespmem:s20+$0xFFFFFF40] =	vst v6;
	v6 =	vmax.f32 v4, v15;
	v4 =	vld [tilespmem:s20+$0xFFFFFFF0]  }
0xc3: {  	v15 =	vadd.f32 v18, v40;
	v40 =	vld [tilespmem:s21+$0xB0]  }
0xc4: {  	v8 =	vadd.f32 v9, v8;
	v13 =	vmax.f32 v13, v20;
	v9 =	vld [tilespmem:s14+$0xFFFFFF50]  }
0xc5: {  	v34 =	vld [tilespmem:s13+$0xFFFFFF50];
	[tilespmem:s21+$0x80] =	vst v13  }
0xc6: {  	v23 =	vld [tilespmem:s22+$0x90]  }
0xc7: {  	v10 =	vadd.f32 v11, v27;
	v27 =	vld [tilespmem:s21+$0xFFFFFFB0]  }
0xc8: {  	v18 =	vadd.f32 v50, v45;
	[tilespmem:s20+$0xFFFFFFC0] =	vst v6;
	v11 =	vmul.f32 $9.999999770e-03, v8;
	v44 =	vld [tilespmem:s23+$0x90]  }
0xc9: {  	v6 =	vld [tilespmem:s14+$0xFFFFFFD0]  }
0xca: {  	v35 =	vld [tilespmem:s13+$0xFFFFFFD0];
	v15 =	vadd.f32 v42, v15;
	v18 =	vadd.f32 v54, v18;
	v8 =	vmax.f32 v8, v11  }
0xcb: {  	v11 =	vld [tilespmem:s20+$0xE0];
	[tilespmem:s20+$0xD0] =	vst v8;
	v13 =	vadd.f32 v23, v43  }
0xcc: {  	v47 =	vmul.f32 $9.999999770e-03, v15;
	v63 =	vmul.f32 $9.999999770e-03, v18;
	v36 =	vld [tilespmem:s13+$0xE0]  }
0xcd: {  	v8 =	vadd.f32 v9, v29;
	v29 =	vld [tilespmem:s21+$0x40];
	v13 =	vadd.f32 v44, v13  }
0xce: {  	v15 =	vmax.f32 v15, v47;
	v18 =	vmax.f32 v18, v63;
	v63 =	vld [tilespmem:s21+$0xFFFFFFE0]  }
0xcf: {  	v6 =	vadd.f32 v6, v7;
	v7 =	vld [tilespmem:s14+$0xE0];
	[tilespmem:s21+$0xFFFFFF80] =	vst v15;
	v51 =	vmul.f32 $9.999999770e-03, v13  }
0xd0: {  	v10 =	vadd.f32 v33, v10;
	v52 =	vld [tilespmem:s22+$0xFFFFFF90]  }
0xd1: {  	[tilespmem:s21+$0xFFFFFF10] =	vst v18;
	v55 =	vld [tilespmem:s23+$0xFFFFFF90];
	v13 =	vmax.f32 v13, v51  }
0xd2: {  	v9 =	vmul.f32 $9.999999770e-03, v10;
	v8 =	vadd.f32 v34, v8;
	v34 =	vld [tilespmem:s22+$0xFFFFFF20];
	[tilespmem:s21+$0x90] =	vst v13  }
0xd3: {  	v23 =	vadd.f32 v59, v25;
	v58 =	vld [tilespmem:s22+$0xA0]  }
0xd4: {  	v9 =	vmax.f32 v10, v9;
	v37 =	vld [tilespmem:s23+$0xFFFFFF20]  }
0xd5: {  	[tilespmem:s20+$0x40] =	vst v9;
	v33 =	vadd.f32 v61, v23;
	v20 =	vadd.f32 v52, v46;
	v60 =	vld [tilespmem:s23+$0xA0]  }
0xd6: {  	v10 =	vadd.f32 v35, v6;
	v6 =	vmul.f32 $9.999999770e-03, v8;
	v14 =	vld [tilespmem:s14+$0x50]  }
0xd7: {  	v12 =	vld [tilespmem:s13+$0x50];
	v23 =	vmul.f32 $9.999999770e-03, v33;
	v15 =	vadd.f32 v55, v20  }
0xd8: {  	v8 =	vmax.f32 v8, v6;
	v6 =	vld [tilespmem:s20+$0x70];
	v13 =	vadd.f32 v58, v57  }
0xd9: {  	v9 =	vmul.f32 $9.999999770e-03, v10;
	v39 =	vmax.f32 v33, v23;
	v23 =	vld [tilespmem:s21+$0xFFFFFF50];
	v32 =	vmul.f32 $9.999999770e-03, v15  }
0xda: {  	[tilespmem:s20+$0xFFFFFF50] =	vst v8;
	v33 =	vld [tilespmem:s21+$0xD0];
	v13 =	vadd.f32 v60, v13  }
0xdb: {  	v7 =	vadd.f32 v7, v11;
	v8 =	vmax.f32 v10, v9;
	v9 =	vld [tilespmem:s14+$0xFFFFFF60];
	v15 =	vmax.f32 v15, v32  }
0xdc: {  	v10 =	vld [tilespmem:s13+$0xFFFFFF60];
	[tilespmem:s21+$0xFFFFFF90] =	vst v15;
	v35 =	vmul.f32 $9.999999770e-03, v13  }
0xdd: {  	[tilespmem:s20+$0xFFFFFFD0] =	vst v8;
	v7 =	vadd.f32 v36, v7;
	v36 =	vld [tilespmem:s22+$0xFFFFFFA0]  }
0xde: {  	v8 =	vld [tilespmem:s14+$0xFFFFFFE0];
	v13 =	vmax.f32 v13, v35  }
0xdf: {  	v38 =	vld [tilespmem:s23+$0xFFFFFFA0];
	[tilespmem:s21+$0xA0] =	vst v13  }
0xe0: {  	[tilespmem:s21+$0x10] =	vst v39;
	v41 =	vld [tilespmem:s22+$0xB0]  }
0xe1: {  	v21 =	vadd.f32 v34, v26;
	v42 =	vld [tilespmem:s22+$0x20]  }
0xe2: {  	v19 =	vadd.f32 v36, v48;
	v43 =	vld [tilespmem:s23+$0xB0]  }
0xe3: {  	v21 =	vadd.f32 v37, v21;
	v44 =	vld [tilespmem:s23+$0x20];
	v11 =	vmul.f32 $9.999999770e-03, v7  }
0xe4: {  	v20 =	vld [tilespmem:s21+$0xFFFFFF40];
	v15 =	vadd.f32 v38, v19  }
0xe5: {  	v25 =	vmul.f32 $9.999999770e-03, v21;
	v7 =	vmax.f32 v7, v11;
	v11 =	vld [tilespmem:s13+$0xFFFFFFE0];
	v18 =	vadd.f32 v41, v40  }
0xe6: {  	[tilespmem:s20+$0xE0] =	vst v7;
	v7 =	vld [tilespmem:s20+$0xF0];
	v17 =	vadd.f32 v42, v49;
	v30 =	vmul.f32 $9.999999770e-03, v15  }
0xe7: {  	v21 =	vmax.f32 v21, v25;
	v25 =	vld [tilespmem:s21+$0xFFFFFFD0];
	v18 =	vadd.f32 v43, v18  }
0xe8: {  	v3 =	vadd.f32 v14, v3;
	[tilespmem:s21+$0xFFFFFF20] =	vst v21;
	v21 =	vld [tilespmem:s21+$0x50];
	v46 =	vadd.f32 v44, v17;
	v15 =	vmax.f32 v15, v30  }
0xe9: {  	v45 =	vld [tilespmem:s22+$0xFFFFFF30];
	[tilespmem:s21+$0xFFFFFFA0] =	vst v15;
	v47 =	vmul.f32 $9.999999770e-03, v18  }
0xea: {  	v3 =	vadd.f32 v12, v3;
	v50 =	vmul.f32 $9.999999770e-03, v46;
	v48 =	vld [tilespmem:s22+$0xFFFFFFB0]  }
0xeb: {  	v49 =	vld [tilespmem:s23+$0xFFFFFF30];
	v17 =	vmax.f32 v18, v47  }
0xec: {  	v52 =	vmul.f32 $9.999999770e-03, v3;
	v15 =	vmax.f32 v46, v50;
	v51 =	vld [tilespmem:s23+$0xFFFFFFB0];
	[tilespmem:s21+$0xB0] =	vst v17  }
0xed: {  	v1 =	vadd.f32 v9, v1;
	[tilespmem:s21+$0x20] =	vst v15;
	v54 =	vld [tilespmem:s22+$0xC0]  }
0xee: {  	v0 =	vadd.f32 v8, v0;
	v3 =	vmax.f32 v3, v52;
	v14 =	vadd.f32 v45, v62;
	v55 =	vld [tilespmem:s22+$0x30]  }
0xef: {  	v1 =	vadd.f32 v10, v1;
	[tilespmem:s20+$0x50] =	vst v3;
	v3 =	vadd.f32 v48, v27;
	v56 =	vld [tilespmem:s23+$0xC0]  }
0xf0: {  	v12 =	vadd.f32 v49, v14;
	v59 =	vld [tilespmem:s23+$0x30]  }
0xf1: {  	v60 =	vld [tilespmem:s13+$0xF0];
	v0 =	vadd.f32 v11, v0;
	v11 =	vmul.f32 $9.999999770e-03, v1;
	v58 =	vadd.f32 v51, v3  }
0xf2: {  	v57 =	vld [tilespmem:s14+$0x60];
	v3 =	vmul.f32 $9.999999770e-03, v12;
	v15 =	vadd.f32 v54, v53  }
0xf3: {  	v1 =	vmax.f32 v1, v11;
	v11 =	vld [tilespmem:s13+$0x60];
	v62 =	vadd.f32 v55, v28;
	v61 =	vmul.f32 $9.999999770e-03, v58  }
0xf4: {  	[tilespmem:s20+$0xFFFFFF60] =	vst v1;
	v13 =	vld [tilespmem:s14+$0xF0];
	v3 =	vmax.f32 v12, v3;
	v15 =	vadd.f32 v56, v15  }
0xf5: {  	v39 =	vld [tilespmem:s14+$0xFFFFFF70];
	v12 =	vadd.f32 v59, v62;
	[tilespmem:s21+$0xFFFFFF30] =	vst v3;
	v14 =	vmax.f32 v58, v61  }
0xf6: {  	v28 =	vld [tilespmem:s22+$0xFFFFFF40];
	[tilespmem:s21+$0xFFFFFFB0] =	vst v14;
	v30 =	vmul.f32 $9.999999770e-03, v15  }
0xf7: {  	v32 =	vmul.f32 $9.999999770e-03, v12;
	v31 =	vld [tilespmem:s22+$0xFFFFFFC0]  }
0xf8: {  	v9 =	vld [tilespmem:s23+$0xFFFFFF40];
	v14 =	vmax.f32 v15, v30  }
0xf9: {  	v8 =	vld [tilespmem:s23+$0xFFFFFFC0];
	v10 =	vmax.f32 v12, v32;
	[tilespmem:s21+$0xC0] =	vst v14  }
0xfa: {  	[tilespmem:s21+$0x30] =	vst v10;
	v10 =	vld [tilespmem:s22+$0xD0]  }
0xfb: {  	v35 =	vld [tilespmem:s22+$0x40];
	v34 =	vadd.f32 v28, v20  }
0xfc: {  	v36 =	vmul.f32 $9.999999770e-03, v0;
	v16 =	vadd.f32 v31, v16;
	v37 =	vld [tilespmem:s23+$0xD0]  }
0xfd: {  	v46 =	vld [tilespmem:s21+$0xE0];
	v9 =	vadd.f32 v9, v34  }
0xfe: {  	v0 =	vmax.f32 v0, v36;
	v38 =	vld [tilespmem:s23+$0x40];
	v8 =	vadd.f32 v8, v16  }
0xff: {  	[tilespmem:s20+$0xFFFFFFE0] =	vst v0;
	v3 =	vld [tilespmem:s21+$0x60];
	v0 =	vmul.f32 $9.999999770e-03, v9;
	v1 =	vadd.f32 v10, v33  }
0x100: {  	v53 =	vld [tilespmem:s13+$0xFFFFFF70];
	v40 =	vmul.f32 $9.999999770e-03, v8  }
0x101: {  	v54 =	vld [tilespmem:s13+$0xFFFFFFF0];
	v0 =	vmax.f32 v9, v0;
	v9 =	vadd.f32 v35, v29;
	v41 =	vadd.f32 v37, v1  }
0x102: {  	v2 =	vadd.f32 v57, v2;
	[tilespmem:s21+$0xFFFFFF40] =	vst v0;
	v0 =	vld [tilespmem:s21+$0xFFFFFFF0];
	v8 =	vmax.f32 v8, v40  }
0x103: {  	v42 =	vld [tilespmem:s22+$0xFFFFFF50];
	[tilespmem:s21+$0xFFFFFFC0] =	vst v8;
	v8 =	vadd.f32 v38, v9;
	v9 =	vmul.f32 $9.999999770e-03, v41  }
0x104: {  	v2 =	vadd.f32 v11, v2;
	v43 =	vld [tilespmem:s22+$0xFFFFFFD0]  }
0x105: {  	v11 =	vld [tilespmem:s23+$0xFFFFFF50];
	v44 =	vmul.f32 $9.999999770e-03, v8;
	v9 =	vmax.f32 v41, v9  }
0x106: {  	v45 =	vld [tilespmem:s23+$0xFFFFFFD0];
	[tilespmem:s21+$0xD0] =	vst v9;
	v9 =	vmul.f32 $9.999999770e-03, v2  }
0x107: {  	v10 =	vld [tilespmem:s14+$0xFFFFFFF0];
	v8 =	vmax.f32 v8, v44  }
0x108: {  	[tilespmem:s21+$0x40] =	vst v8;
	v8 =	vld [tilespmem:s22+$0xE0];
	v2 =	vmax.f32 v2, v9;
	v9 =	vadd.f32 v42, v23  }
0x109: {  	v47 =	vld [tilespmem:s22+$0x50];
	[tilespmem:s20+$0x60] =	vst v2;
	v2 =	vadd.f32 v43, v25  }
0x10a: {  	v48 =	vld [tilespmem:s23+$0xE0];
	v9 =	vadd.f32 v11, v9  }
0x10b: {  	v50 =	vld [tilespmem:s23+$0x50];
	v11 =	vadd.f32 v45, v2  }
0x10c: {  	v1 =	vld [tilespmem:s21+$0xFFFFFF70];
	v4 =	vadd.f32 v10, v4;
	v51 =	vmul.f32 $9.999999770e-03, v9  }
0x10d: {  	v49 =	vld [tilespmem:s14+$0x70];
	v8 =	vadd.f32 v8, v46;
	v52 =	vmul.f32 $9.999999770e-03, v11  }
0x10e: {  	v14 =	vadd.f32 v54, v4;
	v4 =	vld [tilespmem:s21+$0xF0];
	v12 =	vadd.f32 v47, v21;
	v9 =	vmax.f32 v9, v51  }
0x10f: {  	v7 =	vadd.f32 v13, v7;
	v8 =	vadd.f32 v48, v8;
	[tilespmem:s21+$0xFFFFFF50] =	vst v9;
	v9 =	vmax.f32 v11, v52;
	v11 =	vld [tilespmem:s13+$0x70]  }
0x110: {  	v5 =	vadd.f32 v39, v5;
	v55 =	vld [tilespmem:s22+$0xFFFFFF60];
	[tilespmem:s21+$0xFFFFFFD0] =	vst v9;
	v9 =	vadd.f32 v50, v12  }
0x111: {  	v7 =	vadd.f32 v60, v7;
	v56 =	vmul.f32 $9.999999770e-03, v8;
	v10 =	vld [tilespmem:s22+$0xFFFFFFE0]  }
0x112: {  	v5 =	vadd.f32 v53, v5;
	v6 =	vadd.f32 v49, v6;
	v57 =	vld [tilespmem:s23+$0xFFFFFF60];
	v58 =	vmul.f32 $9.999999770e-03, v9  }
0x113: {  	v59 =	vmul.f32 $9.999999770e-03, v7;
	v60 =	vld [tilespmem:s23+$0xFFFFFFE0];
	v8 =	vmax.f32 v8, v56  }
0x114: {  	v2 =	vld [tilespmem:s21+$0x70];
	[tilespmem:s21+$0xE0] =	vst v8;
	v8 =	vmax.f32 v9, v58;
	v9 =	vmul.f32 $9.999999770e-03, v5;
	v11 =	vadd.f32 v11, v6  }
0x115: {  	v7 =	vmax.f32 v7, v59;
	v6 =	vld [tilespmem:s22+$0xF0];
	v61 =	vadd.f32 v55, v22;
	[tilespmem:s21+$0x50] =	vst v8;
	v8 =	vmul.f32 $9.999999770e-03, v14  }
0x116: {  	[tilespmem:s20+$0xF0] =	vst v7;
	v62 =	vadd.f32 v10, v63;
	v7 =	vld [tilespmem:s22+$0x60];
	v9 =	vmax.f32 v5, v9;
	v63 =	vmul.f32 $9.999999770e-03, v11  }
0x117: {  	s6 =	simm.s32 $0x1D00;
	v5 =	vld [tilespmem:s23+$0xF0];
	[tilespmem:s20+$0xFFFFFF70] =	vst v9;
	v14 =	vmax.f32 v14, v8;
	v10 =	vadd.f32 v57, v61  }
0x118: {  	s5 =	simm.s32 $0x4;
	s14 =	simm.s32 $0x3B00;
	s13 =	simm.s32 $0x5B00;
	v9 =	vld [tilespmem:s23+$0x60];
	v8 =	vadd.f32 v60, v62;
	[tilespmem:s20+$0xFFFFFFF0] =	vst v14;
	v11 =	vmax.f32 v11, v63  }
.LBB2_6:
0x119: {  	v12 =	vld [tilespmem:s6+$0x80];
	v13 =	vmul.f32 $9.999999770e-03, v10;
	s22 =	sadd.s32 $0x200, s22;
	[tilespmem:s20+$0x70] =	vst v11;
	s20 =	smov.u32 s21;
	s21 =	smov.u32 s6  }
0x11a: {  	s5 =	sadd.s32 $0x4, s5;
	v11 =	vld [tilespmem:s22+$0x80];
	v14 =	vmul.f32 $9.999999770e-03, v8;
	v4 =	vadd.f32 v6, v4  }
0x11b: {  	s23 =	sadd.s32 $0x200, s23;
	p1 =	slt.u32 s5, $0x3C;
	v6 =	vld [tilespmem:s22+$0xFFFFFF00];
	v10 =	vmax.f32 v10, v13;
	v3 =	vadd.f32 v7, v3  }
0x11c: {  	v7 =	vld [tilespmem:s23+$0x80];
	[tilespmem:s20+$0xFFFFFF60] =	vst v10;
	v8 =	vmax.f32 v8, v14;
	v4 =	vadd.f32 v5, v4  }
0x11d: {  	v5 =	vld [tilespmem:s6+$0xFFFFFF80];
	[tilespmem:s20+$0xFFFFFFE0] =	vst v8;
	v3 =	vadd.f32 v9, v3  }
0x11e: {  	v8 =	vld [tilespmem:s22+$0xFFFFFF80];
	v9 =	vmul.f32 $9.999999770e-03, v4  }
0x11f: {  	v10 =	vld [tilespmem:s6+$0x0];
	v11 =	vadd.f32 v11, v12;
	v12 =	vmul.f32 $9.999999770e-03, v3  }
0x120: {  	v13 =	vld [tilespmem:s22+$0x0];
	v4 =	vmax.f32 v4, v9  }
0x121: {  	v9 =	vld [tilespmem:s6+$0xFFFFFF00];
	v7 =	vadd.f32 v7, v11;
	v3 =	vmax.f32 v3, v12;
	[tilespmem:s20+$0xF0] =	vst v4  }
0x122: {  	v4 =	vld [tilespmem:s23+$0xFFFFFF00];
	[tilespmem:s20+$0x60] =	vst v3  }
0x123: {  	v3 =	vadd.f32 v8, v5;
	v5 =	vld [tilespmem:s23+$0xFFFFFF80];
	v8 =	vmul.f32 $9.999999770e-03, v7  }
0x124: {  	v11 =	vld [tilespmem:s23+$0x0]  }
0x125: {  	v12 =	vld [tilespmem:s6+$0xFFFFFF10];
	v10 =	vadd.f32 v13, v10;
	v7 =	vmax.f32 v7, v8  }
0x126: {  	v6 =	vadd.f32 v6, v9;
	[tilespmem:s6+$0x80] =	vst v7;
	v7 =	vld [tilespmem:s6+$0x90]  }
0x127: {  	v8 =	vld [tilespmem:s22+$0x90]  }
0x128: {  	v4 =	vadd.f32 v4, v6;
	v3 =	vadd.f32 v5, v3;
	v5 =	vld [tilespmem:s6+$0xFFFFFF90]  }
0x129: {  	v6 =	vadd.f32 v11, v10;
	v9 =	vld [tilespmem:s23+$0x90]  }
0x12a: {  	v10 =	vmul.f32 $9.999999770e-03, v4;
	v11 =	vmul.f32 $9.999999770e-03, v3;
	v13 =	vld [tilespmem:s6+$0x10]  }
0x12b: {  	v14 =	vld [tilespmem:s6+$0xFFFFFF20];
	v15 =	vmul.f32 $9.999999770e-03, v6  }
0x12c: {  	v4 =	vmax.f32 v4, v10;
	v3 =	vmax.f32 v3, v11;
	v10 =	vld [tilespmem:s6+$0xFFFFFFA0];
	v7 =	vadd.f32 v8, v7  }
0x12d: {  	[tilespmem:s6+$0xFFFFFF00] =	vst v4;
	v4 =	vmax.f32 v6, v15;
	v6 =	vld [tilespmem:s6+$0x20]  }
0x12e: {  	v8 =	vld [tilespmem:s22+$0xFFFFFF10];
	[tilespmem:s6+$0xFFFFFF80] =	vst v3;
	v3 =	vadd.f32 v9, v7  }
0x12f: {  	v7 =	vld [tilespmem:s22+$0xFFFFFF90];
	[tilespmem:s6+$0x0] =	vst v4  }
0x130: {  	v4 =	vld [tilespmem:s22+$0x10];
	v9 =	vmul.f32 $9.999999770e-03, v3  }
0x131: {  	v11 =	vld [tilespmem:s23+$0xFFFFFF10]  }
0x132: {  	v15 =	vld [tilespmem:s23+$0xFFFFFF90];
	v3 =	vmax.f32 v3, v9  }
0x133: {  	v8 =	vadd.f32 v8, v12;
	[tilespmem:s6+$0x90] =	vst v3;
	v3 =	vld [tilespmem:s6+$0xA0]  }
0x134: {  	v5 =	vadd.f32 v7, v5;
	v7 =	vld [tilespmem:s22+$0xA0]  }
0x135: {  	v4 =	vadd.f32 v4, v13;
	v9 =	vld [tilespmem:s23+$0x10]  }
0x136: {  	v8 =	vadd.f32 v11, v8;
	v11 =	vld [tilespmem:s23+$0xA0]  }
0x137: {  	v12 =	vld [tilespmem:s6+$0xFFFFFF30];
	v5 =	vadd.f32 v15, v5  }
0x138: {  	v13 =	vmul.f32 $9.999999770e-03, v8;
	v15 =	vld [tilespmem:s6+$0xFFFFFFB0]  }
0x139: {  	v16 =	vmul.f32 $9.999999770e-03, v5;
	v17 =	vld [tilespmem:s6+$0x30];
	v3 =	vadd.f32 v7, v3  }
0x13a: {  	v7 =	vmax.f32 v8, v13;
	v8 =	vld [tilespmem:s6+$0xFFFFFF40];
	v4 =	vadd.f32 v9, v4  }
0x13b: {  	[tilespmem:s6+$0xFFFFFF10] =	vst v7;
	v5 =	vmax.f32 v5, v16;
	v7 =	vld [tilespmem:s6+$0xFFFFFFC0];
	v3 =	vadd.f32 v11, v3  }
0x13c: {  	v9 =	vld [tilespmem:s22+$0xFFFFFF20];
	[tilespmem:s6+$0xFFFFFF90] =	vst v5;
	v5 =	vmul.f32 $9.999999770e-03, v4  }
0x13d: {  	v11 =	vld [tilespmem:s22+$0xFFFFFFA0];
	v13 =	vmul.f32 $9.999999770e-03, v3  }
0x13e: {  	v16 =	vld [tilespmem:s23+$0xFFFFFF20];
	v4 =	vmax.f32 v4, v5  }
0x13f: {  	v5 =	vld [tilespmem:s23+$0xFFFFFFA0];
	[tilespmem:s6+$0x10] =	vst v4;
	v3 =	vmax.f32 v3, v13  }
0x140: {  	[tilespmem:s6+$0xA0] =	vst v3;
	v3 =	vld [tilespmem:s6+$0xB0]  }
0x141: {  	v4 =	vadd.f32 v9, v14;
	v9 =	vld [tilespmem:s22+$0xB0]  }
0x142: {  	v10 =	vadd.f32 v11, v10;
	v11 =	vld [tilespmem:s22+$0x20]  }
0x143: {  	v4 =	vadd.f32 v16, v4;
	v13 =	vld [tilespmem:s23+$0xB0]  }
0x144: {  	v5 =	vadd.f32 v5, v10;
	v10 =	vld [tilespmem:s23+$0x20]  }
0x145: {  	v14 =	vmul.f32 $9.999999770e-03, v4;
	v16 =	vld [tilespmem:s6+$0x40]  }
0x146: {  	v18 =	vld [tilespmem:s6+$0xFFFFFF50];
	v19 =	vmul.f32 $9.999999770e-03, v5;
	v3 =	vadd.f32 v9, v3  }
0x147: {  	v4 =	vmax.f32 v4, v14;
	v9 =	vld [tilespmem:s6+$0xFFFFFFD0];
	v6 =	vadd.f32 v11, v6  }
0x148: {  	[tilespmem:s6+$0xFFFFFF20] =	vst v4;
	v5 =	vmax.f32 v5, v19;
	v4 =	vld [tilespmem:s6+$0x50];
	v3 =	vadd.f32 v13, v3  }
0x149: {  	v11 =	vld [tilespmem:s22+$0xFFFFFF30];
	[tilespmem:s6+$0xFFFFFFA0] =	vst v5;
	v5 =	vadd.f32 v10, v6  }
0x14a: {  	v6 =	vld [tilespmem:s22+$0xFFFFFFB0];
	v10 =	vmul.f32 $9.999999770e-03, v3  }
0x14b: {  	v13 =	vld [tilespmem:s23+$0xFFFFFF30];
	v14 =	vmul.f32 $9.999999770e-03, v5  }
0x14c: {  	v19 =	vld [tilespmem:s23+$0xFFFFFFB0];
	v3 =	vmax.f32 v3, v10  }
0x14d: {  	v5 =	vmax.f32 v5, v14;
	[tilespmem:s6+$0xB0] =	vst v3;
	v3 =	vld [tilespmem:s6+$0xC0]  }
0x14e: {  	v10 =	vadd.f32 v11, v12;
	[tilespmem:s6+$0x20] =	vst v5;
	v11 =	vld [tilespmem:s22+$0xC0]  }
0x14f: {  	v5 =	vadd.f32 v6, v15;
	v12 =	vld [tilespmem:s22+$0x30]  }
0x150: {  	v10 =	vadd.f32 v13, v10;
	v13 =	vld [tilespmem:s23+$0xC0]  }
0x151: {  	v14 =	vadd.f32 v19, v5;
	v15 =	vld [tilespmem:s23+$0x30]  }
0x152: {  	v19 =	vmul.f32 $9.999999770e-03, v10;
	v6 =	vld [tilespmem:s6+$0xFFFFFF60]  }
0x153: {  	v20 =	vmul.f32 $9.999999770e-03, v14;
	v5 =	vld [tilespmem:s6+$0xFFFFFFE0];
	v11 =	vadd.f32 v11, v3  }
0x154: {  	v10 =	vmax.f32 v10, v19;
	v12 =	vadd.f32 v12, v17;
	v3 =	vld [tilespmem:s6+$0x60]  }
0x155: {  	[tilespmem:s6+$0xFFFFFF30] =	vst v10;
	v10 =	vmax.f32 v14, v20;
	v11 =	vadd.f32 v13, v11;
	v13 =	vld [tilespmem:s14+$0xFFFFFF70]  }
0x156: {  	v14 =	vld [tilespmem:s22+$0xFFFFFF40];
	[tilespmem:s6+$0xFFFFFFB0] =	vst v10;
	v10 =	vadd.f32 v15, v12  }
0x157: {  	v12 =	vld [tilespmem:s22+$0xFFFFFFC0];
	v15 =	vmul.f32 $9.999999770e-03, v11  }
0x158: {  	v17 =	vld [tilespmem:s23+$0xFFFFFF40];
	v19 =	vmul.f32 $9.999999770e-03, v10  }
0x159: {  	v20 =	vld [tilespmem:s23+$0xFFFFFFC0];
	v11 =	vmax.f32 v11, v15  }
0x15a: {  	v10 =	vmax.f32 v10, v19;
	[tilespmem:s6+$0xC0] =	vst v11;
	v11 =	vld [tilespmem:s6+$0xD0];
	v13 =	vadd.f32 v13, v1  }
0x15b: {  	v1 =	vadd.f32 v14, v8;
	[tilespmem:s6+$0x30] =	vst v10;
	v8 =	vld [tilespmem:s22+$0xD0]  }
0x15c: {  	v7 =	vadd.f32 v12, v7;
	v10 =	vld [tilespmem:s22+$0x40]  }
0x15d: {  	v1 =	vadd.f32 v17, v1;
	v12 =	vld [tilespmem:s23+$0xD0]  }
0x15e: {  	v7 =	vadd.f32 v20, v7;
	v14 =	vld [tilespmem:s23+$0x40]  }
0x15f: {  	v15 =	vmul.f32 $9.999999770e-03, v1;
	v17 =	vld [tilespmem:s14+$0xFFFFFFF0]  }
0x160: {  	v19 =	vmul.f32 $9.999999770e-03, v7;
	v8 =	vadd.f32 v8, v11;
	v11 =	vld [tilespmem:s14+$0x70];
	s14 =	smov.u32 s22  }
0x161: {  	v15 =	vmax.f32 v1, v15;
	v1 =	vld [tilespmem:s6+$0xFFFFFF70];
	v10 =	vadd.f32 v10, v16  }
0x162: {  	[tilespmem:s6+$0xFFFFFF40] =	vst v15;
	v7 =	vmax.f32 v7, v19;
	v15 =	vld [tilespmem:s6+$0xFFFFFFF0];
	v8 =	vadd.f32 v12, v8  }
0x163: {  	v12 =	vld [tilespmem:s22+$0xFFFFFF50];
	[tilespmem:s6+$0xFFFFFFC0] =	vst v7;
	v7 =	vadd.f32 v14, v10  }
0x164: {  	v10 =	vld [tilespmem:s22+$0xFFFFFFD0];
	v14 =	vmul.f32 $9.999999770e-03, v8;
	v16 =	vadd.f32 v17, v0  }
0x165: {  	v17 =	vld [tilespmem:s23+$0xFFFFFF50];
	v19 =	vmul.f32 $9.999999770e-03, v7;
	v11 =	vadd.f32 v11, v2  }
0x166: {  	v2 =	vld [tilespmem:s23+$0xFFFFFFD0];
	v8 =	vmax.f32 v8, v14  }
0x167: {  	v7 =	vmax.f32 v7, v19;
	[tilespmem:s6+$0xD0] =	vst v8;
	v8 =	vld [tilespmem:s6+$0xE0];
	v0 =	vmov v15  }
0x168: {  	v12 =	vadd.f32 v12, v18;
	[tilespmem:s6+$0x40] =	vst v7;
	v7 =	vld [tilespmem:s22+$0xE0]  }
0x169: {  	v9 =	vadd.f32 v10, v9;
	v10 =	vld [tilespmem:s22+$0x50]  }
0x16a: {  	v12 =	vadd.f32 v17, v12;
	v14 =	vld [tilespmem:s23+$0xE0]  }
0x16b: {  	v9 =	vadd.f32 v2, v9;
	v15 =	vld [tilespmem:s23+$0x50]  }
0x16c: {  	v17 =	vmul.f32 $9.999999770e-03, v12;
	v2 =	vld [tilespmem:s6+$0x70]  }
0x16d: {  	v18 =	vmul.f32 $9.999999770e-03, v9;
	v7 =	vadd.f32 v7, v8;
	v8 =	vld [tilespmem:s13+$0xFFFFFF70]  }
0x16e: {  	v12 =	vmax.f32 v12, v17;
	v4 =	vadd.f32 v10, v4;
	v10 =	vld [tilespmem:s13+$0xFFFFFFF0]  }
0x16f: {  	[tilespmem:s6+$0xFFFFFF50] =	vst v12;
	v9 =	vmax.f32 v9, v18;
	v7 =	vadd.f32 v14, v7;
	v12 =	vld [tilespmem:s13+$0x70];
	s13 =	smov.u32 s23  }
0x170: {  	v14 =	vld [tilespmem:s22+$0xFFFFFF60];
	[tilespmem:s6+$0xFFFFFFD0] =	vst v9;
	v4 =	vadd.f32 v15, v4  }
0x171: {  	v9 =	vld [tilespmem:s22+$0xFFFFFFE0];
	v15 =	vmul.f32 $9.999999770e-03, v7  }
0x172: {  	v17 =	vld [tilespmem:s23+$0xFFFFFF60];
	v18 =	vmul.f32 $9.999999770e-03, v4;
	v8 =	vadd.f32 v8, v13  }
0x173: {  	v13 =	vld [tilespmem:s23+$0xFFFFFFE0];
	v7 =	vmax.f32 v7, v15;
	v15 =	vadd.f32 v10, v16  }
.Ltmp1:
0x174: {  	v10 =	vmax.f32 v4, v18;
	[tilespmem:s6+$0xE0] =	vst v7;
	v4 =	vld [tilespmem:s6+$0xF0];
	v16 =	vmul.f32 $9.999999770e-03, v8;
	v11 =	vadd.f32 v12, v11;
	(pc) =	sbr.rel @p1 .LBB2_6-.Ltmp1, $4  }
0x175: {  	v12 =	vadd.f32 v14, v6;
	[tilespmem:s6+$0x50] =	vst v10;
	v6 =	vld [tilespmem:s22+$0xF0];
	v14 =	vmul.f32 $9.999999770e-03, v15  }
0x176: {  	v9 =	vadd.f32 v9, v5;
	v7 =	vld [tilespmem:s22+$0x60];
	v8 =	vmax.f32 v8, v16;
	v16 =	vmul.f32 $9.999999770e-03, v11  }
0x177: {  	v10 =	vadd.f32 v17, v12;
	v5 =	vld [tilespmem:s23+$0xF0];
	[tilespmem:s20+$0xFFFFFF70] =	vst v8;
	v12 =	vmax.f32 v15, v14  }
0x178: {  	s6 =	sadd.s32 $0x200, s6;
	v8 =	vadd.f32 v13, v9;
	v9 =	vld [tilespmem:s23+$0x60];
	[tilespmem:s20+$0xFFFFFFF0] =	vst v12;
	v11 =	vmax.f32 v11, v16  }
0x179: {  	_ =	sdelay $0x1  }
0x17a: {  	v3 =	vadd.f32 v7, v3  }
0x17b: {  	v49 =	vmul.f32 $9.999999770e-03, v10  }
0x17c: {  	v3 =	vadd.f32 v9, v3  }
0x17d: {  	v50 =	vmul.f32 $9.999999770e-03, v8;
	v7 =	vmax.f32 v10, v49  }
0x17e: {  	[tilespmem:s21+$0xFFFFFF60] =	vst v7;
	v51 =	vmul.f32 $9.999999770e-03, v3  }
0x17f: {  	v52 =	vmax.f32 v8, v50;
	v53 =	vld [tilespmem:s14+$0xFFFFFF70]  }
0x180: {  	[tilespmem:s21+$0xFFFFFFE0] =	vst v52;
	v56 =	vld [tilespmem:s13+$0xFFFFFF70];
	v3 =	vmax.f32 v3, v51  }
0x181: {  	v54 =	vld [tilespmem:s14+$0xFFFFFFF0];
	[tilespmem:s21+$0x60] =	vst v3  }
0x182: {  	v55 =	vld [tilespmem:s14+$0x70]  }
0x183: {  	v57 =	vld [tilespmem:s13+$0xFFFFFFF0]  }
0x184: {  	v4 =	vadd.f32 v6, v4;
	v58 =	vld [tilespmem:s13+$0x70]  }
0x185: {  	v1 =	vadd.f32 v53, v1  }
0x186: {  	v4 =	vadd.f32 v5, v4;
	v0 =	vadd.f32 v54, v0  }
0x187: {  	v1 =	vadd.f32 v56, v1;
	v2 =	vadd.f32 v55, v2  }
0x188: {  	v59 =	vmul.f32 $9.999999770e-03, v4;
	v0 =	vadd.f32 v57, v0  }
0x189: {  	v60 =	vmul.f32 $9.999999770e-03, v1;
	v2 =	vadd.f32 v58, v2  }
0x18a: {  	[tilespmem:s20+$0x70] =	vst v11;
	v3 =	vmax.f32 v4, v59;
	v61 =	vmul.f32 $9.999999770e-03, v0  }
0x18b: {  	[tilespmem:s21+$0xF0] =	vst v3;
	v1 =	vmax.f32 v1, v60;
	v62 =	vmul.f32 $9.999999770e-03, v2  }
0x18c: {  	s15 =	sadd.s32 $0x1, s15;
	[tilespmem:s21+$0xFFFFFF70] =	vst v1;
	v0 =	vmax.f32 v0, v61  }
0x18d: {  	p1 =	sne.s32 s15, s12;
	[tilespmem:s21+$0xFFFFFFF0] =	vst v0;
	v63 =	vmax.f32 v2, v62  }
.Ltmp2:
0x18e: {  	s5 =	sadd.s32 $0x1000, s19;
	[tilespmem:s21+$0x70] =	vst v63;
	(pc) =	sbr.rel @p1 .LBB2_5-.Ltmp2, $4  }
0x18f: {  	[spmem:s2] =	stream.indirect.scatter.add.f32 [tilespmem:s28], [sflag:$0x4], $0x80, s5, s26, $0xb8;
	[tilespmem:$0x1B080] =	vst v63  }
0x190: {  	_ =	swait.ge [sflag:s18], $0x2000  }
0x191: {  	[sflag:s18] =	ssyncset.done $0x0  }
0x192: {  	[sflag:s18] =	ssyncadd.s32 $0xFFFFE000  }
0x193: {  	s24 =	sadd.s32 $0x1, s24  }
0x194: {  	p1 =	sne.s32 s24, $0xA  }
.Ltmp3:
0x195: {  	_ = 	snop;
	(pc) =	sbr.rel @p1 .LBB2_4-.Ltmp3, $2  }
0x196: {  	_ =	sdelay $0x2  }
0x197: {  	s17 =	sadd.s32 $0xFFFFFFF0, s17  }
0x198: {  	[bflag:$0x0] =	sbarrier.arrive $0xFFFF  }
0x199: {  	s6 =	rddreg [dreg:$0xa]  }
0x19a: {  	s5 =	simm.s32 @p0 $0x1FC4;
	s12 =	rddreg [dreg:$0xc]  }
0x19b: {  	[hbm:s6], [sflag:s5] =	dma.local @p0 [spmem:s12], $0x2800  }
0x19c: {  	s5 =	simm.s32 @p0 $0x4  }
0x19d: {  	_ =	swait.ge @p0 [sflag:s5], $0x2800  }
0x19e: {  	[sflag:s5] =	ssyncset.done @p0 $0x0;
	s6 =	rddreg [dreg:$0xd]  }
0x19f: {  	[sflag:s5] =	ssyncadd.s32 @p0 $0xFFFFD800;
	s5 =	rddreg [dreg:$0x9]  }
0x1a0: {  	[hbm:s5], [sflag:s11] =	dma.local @!p0 [spmem:s6], $0x2700  }
0x1a1: {  	s5 =	simm.s32 @!p0 $0x4  }
0x1a2: {  	_ =	swait.ge @!p0 [sflag:s5], $0x2700  }
0x1a3: {  	s24 =	rddreg [dreg:$0xe]  }
0x1a4: {  	s25 =	rddreg [dreg:$0xb];
	s12 =	sadd.s32 $0x1, s24  }
0x1a5: {  	p1 =	sne.s32 s12, s25  }
.Ltmp4:
0x1a6: {  	_ = 	snop;
	(pc) =	sbr.rel @p1 .LBB2_1-.Ltmp4, $3  }
0x1a7: {  	_ =	sdelay $0x1  }
0x1a8: {  	[sflag:s5] =	ssyncset.done @!p0 $0x0  }
0x1a9: {  	[sflag:s5] =	ssyncadd.s32 @!p0 $0xFFFFD900  }
0x1aa: {  	_ =	sfence.sel $0x180000  }
0x1ab: {  	[bflag:$0x0] =	sbarrier.arrive $0xFFFF  }
0x1ac: {  	_ =	strace $0x90000047  }
0x1ad: {  	s0 =	stileid.u32;
	[bflag:$0x2] =	sbarrier.arrive $0xFFFF  }
0x1ae: {  	p0 =	sne.s32 s0, $0x0;
	s0 =	rddreg [dreg:$0x3]  }
0x1af: {  	s0 =	sadd.s32 @!p0 $0x100000, s0  }
0x1b0: {  	[sflag:s0] =	ssyncadd.tile.s32 @!p0 $0x1;
	_ =	shalt  }
.Lfunc_end2:
_tile_overlayer_lowered:
.L_overlay_start_2:
0x1b1: {  	(tag) =	ssettag $0x2  }
0x1b2: {  	s0 =	rddreg [dreg:$0x0];
	s2 =	stileid.u32  }
0x1b3: {  	s1 =	rddreg [dreg:$0x1];
	p0 =	sne.s32 s2, $0x0  }
0x1b4: {  	s3 =	rddreg [dreg:$0x2];
	[bflag:$0x3] =	sbarrier.arrive $0xFFFF;
	s2 =	simm.s32 @!p0 $0x1C04  }
0x1b5: {  	[timem:s3], [sflag:s2] =	dma.local @!p0 [hbm:s0], s1  }
0x1b6: {  	s0 =	simm.s32 @!p0 $0x4  }
0x1b7: {  	_ =	swait.ge @!p0 [sflag:s0], s1  }
0x1b8: {  	s1 =	ssub.s32 @!p0 $0x0, s1;
	[sflag:s0] =	ssyncset.done @!p0 $0x0  }
0x1b9: {  	[sflag:s0] =	ssyncadd.s32 @!p0 s1  }
0x1ba: {  	[bflag:$0x3] =	sbarrier.arrive $0xFFFF  }
0x1bb: {  	_ =	shalt  }

// kernel: kernel.7.cloned.1.call-start
scs
__scs_entry_jumppad:
0x0: {  	(pc) =	sbr.rel $0x88, $3  }
0x1: {  	(tag) =	ssettag $0x0;
	lr =	simm.s32 $0x1  }
0x2: {  	[smem:$0x3F8A] =	sst lr;
	_ =	strace $0xD0000000  }
0x3: {  	_ = 	snop  }
0x4: {  	_ = 	snop  }
0x5: {  	_ = 	snop  }
0x6: {  	_ = 	snop  }
0x7: {  	_ = 	snop  }
__scs_overlays_trampoline_lowered:
0x8: {  	[smem:$0x3F99] =	sst s0  }
0x9: {  	[smem:$0x3F9A] =	sst s1  }
0xa: {  	[smem:$0x3F9B] =	sst s2  }
0xb: {  	[smem:$0x3F9C] =	sst s3  }
0xc: {  	[smem:$0x3F9D] =	sst s4  }
0xd: {  	[smem:$0x3F9E] =	sst s5  }
0xe: {  	[smem:$0x3F9F] =	sst s6  }
0xf: {  	[smem:$0x3FA0] =	sst s7  }
0x10: {  	[smem:$0x3FA1] =	sst s8  }
0x11: {  	[smem:$0x3FA2] =	sst s9;
	s0 =	simm.s32 @!p0 $0x0  }
0x12: {  	s1 =	sld [smem:$0x3F88];
	s0 =	simm.s32 @p0 $0x1  }
0x13: {  	[smem:$0x3FA3] =	sst s0;
	s0 =	simm.s32 @!p1 $0x0  }
0x14: {  	s2 =	sld [smem:$0x3F87];
	s0 =	simm.s32 @p1 $0x1  }
0x15: {  	[smem:$0x3FA4] =	sst s0;
	s0 =	simm.s32 @!p2 $0x0  }
0x16: {  	s3 =	sld [smem:$0x3FDB];
	s0 =	simm.s32 @p2 $0x1  }
0x17: {  	s4 =	simm.s32 $0x1BF5;
	[smem:$0x3FA6] =	sst s0  }
0x18: {  	s0 =	sld [smem:$0x3F89];
	_ =	swait.ge [sflag:s4], $0x0  }
0x19: {  	s7 =	sld [smem:$0x3F8A]  }
0x1a: {  	s8 =	sadd.s32 $0xFFFFE003, lr  }
0x1b: {  	s9 =	sadd.s32 $0xFFFFFEF7, lr;
	s5 =	simm.s32 $0xFFFFFFFF;
	p2 =	slt.u32 s8, $0xFFFFF086  }
0x1c: {  	p1 =	slt.u32 s9, $0xF7A;
	s5 =	simm.s32 @!p2 $0x0  }
0x1d: {  	s5 =	simm.s32 @p1 $0x1;
	p0 =	seq.s32 s7, s2  }
0x1e: {  	s7 =	smul.u32 @!p0 $0xF7A, s2;
	p2 =	seq.s32 @!p0 s5, $0x0  }
0x1f: {  	s9 =	smul.u32 $0xF7A, s1;
	s8 =	simm.s32 @!p0 $0x1BF5;
	p2 =	por !p2, p0  }
0x20: {  	[sflag:s8] =	ssyncset.s32 @!p0 $0xFFFFF086;
	s6 =	sadd.s32 @!p0 s3, s7;
	s7 =	simm.s32 @!p0 $0x108  }
0x21: {  	s3 =	sadd.s32 s3, s9;
	s6 =	sadd.s32 @!p0 $0x88, s6;
	s7 =	simm.s32 @p2 $0x1082  }
0x22: {  	[simem:s7], [sflag:s8] =	dma.local @!p0 [hbm:s6], $0xF7A  }
0x23: {  	s9 =	sor.u32 $0xD0000000, s2;
	s6 =	simm.s32 $0x108;
	_ =	swait.ge @!p0 [sflag:s8], $0x0  }
0x24: {  	s3 =	sadd.s32 $0x88, s3;
	s6 =	simm.s32 @!p1 $0x1082;
	[sflag:s4] =	ssyncset.s32 $0xFFFFF086  }
0x25: {  	[simem:s6], [sflag:s4] =	dma.local [hbm:s3], $0xF7A  }
0x26: {  	[smem:$0x3F8A] =	sst s1;
	(tag) =	ssettag s2;
	_ =	strace s9  }
0x27: {  	s1 =	sld [smem:$0x3F9A]  }
0x28: {  	s2 =	sld [smem:$0x3F9B]  }
0x29: {  	s4 =	sld [smem:$0x3F9D]  }
0x2a: {  	p0 =	seq.s32 s5, $0x0;
	s5 =	sld [smem:$0x3F9E]  }
0x2b: {  	s6 =	sld [smem:$0x3F9F]  }
0x2c: {  	s7 =	sld [smem:$0x3FA0]  }
0x2d: {  	s3 =	simm.s32 $0x108;
	s8 =	sld [smem:$0x3FA1]  }
0x2e: {  	s3 =	simm.s32 @!p0 $0x1082;
	s9 =	sld [smem:$0x3FA2]  }
0x2f: {  	lr =	sadd.s32 s0, s3;
	s0 =	sld [smem:$0x3F99]  }
0x30: {  	s3 =	sld [smem:$0x3F9C]  }
0x31: {  	[smem:$0x3FA5] =	sst s10  }
0x32: {  	s10 =	sld [smem:$0x3FA3];
	_ =	sdelay $0x3  }
0x33: {  	p0 =	seq.s32 s10, $0x1;
	s10 =	sld [smem:$0x3FA5];
	_ =	sdelay $0x3  }
0x34: {  	[smem:$0x3FA5] =	sst s10  }
0x35: {  	s10 =	sld [smem:$0x3FA4];
	_ =	sdelay $0x3  }
0x36: {  	p1 =	seq.s32 s10, $0x1;
	s10 =	sld [smem:$0x3FA5];
	_ =	sdelay $0x3  }
0x37: {  	[smem:$0x3FA5] =	sst s10  }
0x38: {  	s10 =	sld [smem:$0x3FA6]  }
0x39: {  	_ = 	snop;
	(pc) =	sbr.ind lr, $3  }
0x3a: {  	_ = 	snop  }
0x3b: {  	_ = 	snop  }
0x3c: {  	p2 =	seq.s32 s10, $0x1;
	s10 =	sld [smem:$0x3FA5]  }
0x3d: {  	_ =	shalt  }
0x3e: {  	_ =	shalt  }
0x3f: {  	_ =	shalt  }
0x40: {  	_ =	shalt  }
0x41: {  	_ =	shalt  }
0x42: {  	_ =	shalt  }
0x43: {  	_ =	shalt  }
0x44: {  	_ =	shalt  }
0x45: {  	_ =	shalt  }
0x46: {  	_ =	shalt  }
0x47: {  	_ =	shalt  }
0x48: {  	_ =	shalt  }
0x49: {  	_ =	shalt  }
0x4a: {  	_ =	shalt  }
0x4b: {  	_ =	shalt  }
0x4c: {  	_ =	shalt  }
0x4d: {  	_ =	shalt  }
0x4e: {  	_ =	shalt  }
0x4f: {  	_ =	shalt  }
0x50: {  	_ =	shalt  }
0x51: {  	_ =	shalt  }
0x52: {  	_ =	shalt  }
0x53: {  	_ =	shalt  }
0x54: {  	_ =	shalt  }
0x55: {  	_ =	shalt  }
0x56: {  	_ =	shalt  }
0x57: {  	_ =	shalt  }
0x58: {  	_ =	shalt  }
0x59: {  	_ =	shalt  }
0x5a: {  	_ =	shalt  }
0x5b: {  	_ =	shalt  }
0x5c: {  	_ =	shalt  }
0x5d: {  	_ =	shalt  }
0x5e: {  	_ =	shalt  }
0x5f: {  	_ =	shalt  }
0x60: {  	_ =	shalt  }
0x61: {  	_ =	shalt  }
0x62: {  	_ =	shalt  }
0x63: {  	_ =	shalt  }
0x64: {  	_ =	shalt  }
0x65: {  	_ =	shalt  }
0x66: {  	_ =	shalt  }
0x67: {  	_ =	shalt  }
0x68: {  	_ =	shalt  }
0x69: {  	_ =	shalt  }
0x6a: {  	_ =	shalt  }
0x6b: {  	_ =	shalt  }
0x6c: {  	_ =	shalt  }
0x6d: {  	_ =	shalt  }
0x6e: {  	_ =	shalt  }
0x6f: {  	_ =	shalt  }
0x70: {  	_ =	shalt  }
0x71: {  	_ =	shalt  }
0x72: {  	_ =	shalt  }
0x73: {  	_ =	shalt  }
0x74: {  	_ =	shalt  }
0x75: {  	_ =	shalt  }
0x76: {  	_ =	shalt  }
0x77: {  	_ =	shalt  }
0x78: {  	_ =	shalt  }
0x79: {  	_ =	shalt  }
0x7a: {  	_ =	shalt  }
0x7b: {  	_ =	shalt  }
0x7c: {  	_ =	shalt  }
0x7d: {  	_ =	shalt  }
0x7e: {  	_ =	shalt  }
0x7f: {  	_ =	shalt  }
0x80: {  	_ =	shalt  }
0x81: {  	_ =	shalt  }
0x82: {  	_ =	shalt  }
0x83: {  	_ =	shalt  }
0x84: {  	_ =	shalt  }
0x85: {  	_ =	shalt  }
0x86: {  	_ =	shalt  }
0x87: {  	_ =	shalt  }
.Lfunc_end0:
.L_simem_size_0:
called_computation_lowered:
.L_overlay_start_0:
0x88: {  	s2 =	sld [smem:$0x3FD9]  }
0x89: {  	s3 =	sld [smem:$0x3FFE];
	_ =	sdelay $0x1  }
0x8a: {  	s1 =	srdreg.scid  }
0x8b: {  	s0 =	sand.u32 $0x1, s1  }
0x8c: {  	s17 =	sshll.u32 s0, $0xA;
	s2 =	sadd.s32 s3, s2  }
0x8d: {  	s2 =	sadd.s32 s2, s17  }
0x8e: {  	[smem:$0x3FB1] =	sst s2  }
0x8f: {  	_ = 	snop  }
0x90: {  	(tm) =	ssettm $0x1  }
0x91: {  	s18 =	sld [smem:$0x3FFB];
	_ =	sdelay $0x3  }
0x92: {  	_ =	strace s18  }
0x93: {  	s2 =	sld [smem:$0x3FFC];
	_ =	sdelay $0x3  }
0x94: {  	_ =	strace s2  }
0x95: {  	s2 =	sld [smem:$0x3FFD];
	_ =	sdelay $0x3  }
0x96: {  	_ =	strace s2  }
0x97: {  	_ =	strace $0x8FFFFFFF  }
0x98: {  	s19 =	sld [smem:$0x3FDB];
	_ =	sdelay $0x1  }
0x99: {  	s20 =	simm.s32 $_scs_section_size  }
0x9a: {  	s4 =	simm.s32 $_size__tile_overlayer_lowered;
	s5 =	simm.s32 $_tile_overlayer_lowered  }
0x9b: {  	s6 =	simm.s32 $0x1BFF;
	s21 =	sshll.u32 s5, $0x1;
	s3 =	sadd.s32 s20, s19  }
0x9c: {  	s22 =	simm.s32 $0x0;
	s4 =	sshll.u32 s4, $0x1;
	s5 =	sadd.s32 s21, s3  }
0x9d: {  	[timem:s22], [sflag:s6] =	dma.local [hbm:s5], s4  }
0x9e: {  	_ =	swait.ge [sflag:s6], s4  }
0x9f: {  	s4 =	ssub.s32 $0x0, s4;
	[sflag:s6] =	ssyncset.done $0x0  }
0xa0: {  	[sflag:s6] =	ssyncadd.s32 s4;
	_ =	sdelay $0x1  }
0xa1: {  	s23 =	simm.s32 $0x1B8B  }
0xa2: {  	_ =	swait.ge [sflag:s23], $0x1  }
0xa3: {  	[sflag:s23] =	ssyncset.done $0x0  }
0xa4: {  	[sflag:s23] =	ssyncadd.s32 $0xFFFFFFFF  }
0xa5: {  	s4 =	sld [smem:$0x0]  }
0xa6: {  	s5 =	sand.u32 $0xFFFFFFFE, s1  }
0xa7: {  	p0 =	sne.s32 s1, s5  }
0xa8: {  	s5 =	sshll.u32 @p0 s5, $0xE  }
0xa9: {  	s5 =	sadd.s32 @p0 $0x11B8D, s5;
	s6 =	sshll.u32 @p0 s4, $0x11  }
0xaa: {  	s5 =	sor.u32 @p0 s6, s5  }
0xab: {  	[sflag:s5] =	ssyncadd.remote.s32 @p0 $0x1;
	_ =	sdelay $0x1  }
0xac: {  	s5 =	simm.s32 @p0 $0x1B8D  }
0xad: {  	_ =	swait.eq @p0 [sflag:s5], $0x1  }
0xae: {  	[sflag:s5] =	ssyncadd.s32 @p0 $0xFFFFFFFF  }
0xaf: {  	s6 =	sshll.u32 @!p0 s1, $0xE  }
0xb0: {  	s6 =	sor.u32 @!p0 $0x4000, s6;
	s5 =	simm.s32 @!p0 $0x1B8D  }
0xb1: {  	s4 =	sshll.u32 @!p0 s4, $0x11;
	s6 =	sadd.s32 @!p0 $0x11B8D, s6;
	_ =	swait.eq @!p0 [sflag:s5], $0x1  }
0xb2: {  	s4 =	sor.u32 @!p0 s4, s6;
	[sflag:s5] =	ssyncadd.s32 @!p0 $0xFFFFFFFF  }
0xb3: {  	s25 =	simm.s32 $0x1B8E;
	s24 =	sld [smem:$0x3FFE];
	[sflag:s4] =	ssyncadd.remote.s32 @!p0 $0x1  }
0xb4: {  	s26 =	simm.s32 $execute0_lowered;
	[smem:$0x3FD2] =	sst s25  }
0xb5: {  	s5 =	sshll.u32 s26, $0x1;
	_ =	strace $0x80000049;
	[dreg:$0x1] =	wrdreg $0xFFFFFFFF  }
0xb6: {  	s28 =	simm.s32 $_size_execute0_lowered;
	s3 =	sadd.s32 s3, s5;
	[dreg:$0x0] =	wrdreg $0x0  }
0xb7: {  	s5 =	sshll.u32 s28, $0x1;
	[dreg:$0x2] =	wrdreg s3  }
0xb8: {  	[dreg:$0x3] =	wrdreg s5  }
0xb9: {  	[dreg:$0x4] =	wrdreg $0xC0  }
0xba: {  	_ =	task [dreg:s22], $0x5FFFF  }
0xbb: {  	[dreg:$0x1] =	wrdreg $0xFFFFFFFF  }
0xbc: {  	[dreg:$0x0] =	wrdreg $0x60  }
0xbd: {  	[dreg:$0x2] =	wrdreg s24  }
0xbe: {  	[dreg:$0x3] =	wrdreg $0x28000  }
0xbf: {  	[dreg:$0x4] =	wrdreg $0x9  }
0xc0: {  	_ =	task.clear_ibuf [dreg:s22], $0x5FFFF;
	_ =	strace $0x90000049  }
0xc1: {  	s29 =	simm.s32 $0x9;
	_ =	strace $0x8000004B  }
0xc2: {  	_ =	swait.ge [sflag:s29], $0x1  }
0xc3: {  	[sflag:s29] =	ssyncadd.s32 $0xFFFFFFFF  }
0xc4: {  	_ =	strace $0x9000004B  }
0xc5: {  	_ =	sfence  }
0xc6: {  	s30 =	sld [smem:$0x0];
	_ =	sdelay $0x2  }
0xc7: {  	s31 =	sshll.u32 s1, $0xD;
	s1 =	sshrl.u32 s1, $0x2  }
0xc8: {  	s4 =	sand.u32 $0x4000, s31;
	s1 =	sadd.s32 s1, s30  }
0xc9: {  	s0 =	sor.u32 s4, s0;
	s1 =	sshll.u32 s1, $0x11  }
0xca: {  	s0 =	sor.u32 s1, s0  }
0xcb: {  	s0 =	sadd.s32 $0x8F2B, s0  }
0xcc: {  	[sflag:s0] =	ssyncadd.remote.s32 $0x1  }
0xcd: {  	_ =	sfence.sel $0xFFFF  }
0xce: {  	[dreg:$0x0] =	wrdreg $0xFFFFFFFF;
	(pc) =	sbr.abs _section_cstart, $3  }
0xcf: {  	[dreg:$0x1] =	wrdreg $0xFFFFFFFF  }
0xd0: {  	_ =	task.clear_ibuf [dreg:s22], $0x2FFFF;
	_ =	strace $0x9FFFFFFF  }
0xd1: {  	(tm) =	ssettm $0x7FFFFFFF  }
tec
execute0_lowered:
.L_overlay_start_1:
0x0: {  	(tag) =	ssettag $0x1  }
0x1: {  	s6 =	rddreg [dreg:$0x0]  }
0x2: {  	s1 =	rddreg [dreg:$0x1]  }
0x3: {  	s0 =	rddreg [dreg:$0x2]  }
0x4: {  	s2 =	simm.s32 $0x0;
	s3 =	srdreg.scid;
	s16 =	simm.s32 $0x800  }
0x5: {  	s17 =	simm.s32 $0x1;
	[smem:$0x7FF] =	sst s2;
	s4 =	sadd.s32 $0x4F9800, s6  }
0x6: {  	s7 =	sand.u32 $0x1, s3;
	s5 =	sadd.s32 $0x51C00, s6;
	s3 =	stileid.u32  }
0x7: {  	s11 =	sadd.s32 $0x51E00, s6;
	s18 =	sadd.s32 $0x124800, s1;
	s6 =	smul.u32 $0x271, s3  }
0x8: {  	_ =	strace $0x8000004A;
	s8 =	ssub.s32 $0x2, s7;
	s10 =	smul.u32 $0x138800, s7  }
0x9: {  	s28 =	sshll.u32 s3, $0x1;
	s30 =	sshll.u32 s3, $0x6;
	s13 =	smul.u32 $0x13800, s3  }
0xa: {  	p0 =	slt.u32 s3, $0xC;
	s14 =	smul.u32 $0x4E000, s3;
	s9 =	sshrl.u32 s8, $0x1  }
0xb: {  	s29 =	sor.u32 s7, s28;
	s7 =	sor.u32 $0x1C02, s30;
	s12 =	ssub.s32 s8, s9  }
0xc: {  	s8 =	simm.s32 $0x9C;
	s13 =	sadd.s32 s13, s10;
	s9 =	smul.u32 $0x5000, s29  }
0xd: {  	s15 =	sshrl.u32 s10, $0x3;
	s31 =	sshrl.u32 s14, $0x2;
	s14 =	simm.s32 $0x400  }
0xe: {  	s8 =	simm.s32 @!p0 $0x9D;
	s13 =	sshrl.u32 s13, $0x3;
	s19 =	sadd.s32 s31, s1  }
0xf: {  	s12 =	smax.u32 s12, $0x1;
	p0 =	seq.s32 s3, $0xF;
	s10 =	sadd.s32 s11, s13  }
0x10: {  	s11 =	sadd.s32 s11, s15;
	s13 =	simm.s32 $0x2;
	s15 =	simm.s32 $0x40  }
0x11: {  	v0 =	vimm.f32 $1.000000000e+00;
	s18 =	sshrl.u32 @p0 s18, $0x3;
	s19 =	sshrl.u32 @!p0 s19, $0x3;
	s11 =	sadd.s32 $0x24900, s11  }
.LBB2_1:
0x12: {  	s20 =	simm.s32 $0x0  }
.LBB2_2:
0x13: {  	p1 =	sne.s32 s20, $0x7E00  }
.Ltmp0:
0x14: {  	_ = 	snop;
	(pc) =	sbr.rel @p1 .LBB2_2-.Ltmp0, $3  }
0x15: {  	_ =	sdelay $0x1  }
0x16: {  	s21 =	sshra.s32 s20, $0x2  }
0x17: {  	s20 =	sadd.s32 $0x200, s20;
	[tilespmem:s21+$0x800] =	vst v0  }
0x18: {  	s20 =	sadd.s32 $0x0, s6  }
0x19: {  	p1 =	slt.s32 s20, $0x2708  }
0x1a: {  	s20 =	simm.s32 @!p1 $0x2708  }
0x1b: {  	s21 =	sadd.s32 $0x8, s6;
	s20 =	sshll.u32 s20, $0x7  }
0x1c: {  	p1 =	slt.s32 s21, $0x2708;
	s20 =	sand.u32 $0x3FFFFF80, s20  }
0x1d: {  	s21 =	simm.s32 @!p1 $0x2708;
	s20 =	sadd.s32 s20, s1  }
0x1e: {  	s21 =	sshll.u32 s21, $0x7;
	s20 =	sshrl.u32 s20, $0x3  }
0x1f: {  	[spmem:s20], [sflag:s7] =	dma.local [hbm:s5], $0x80  }
0x20: {  	s21 =	sand.u32 $0x3FFFFF80, s21;
	s20 =	simm.s32 $0x10;
	_ =	swait.ge [sflag:s13], $0x80  }
.LBB2_4:
0x21: {  	s22 =	sadd.s32 s20, s6  }
0x22: {  	s21 =	sadd.s32 s21, s1;
	p1 =	slt.s32 s22, $0x2708  }
0x23: {  	[sflag:s13] =	ssyncset.done $0x0;
	s22 =	simm.s32 @!p1 $0x2708;
	p1 =	sne.s32 s20, $0x270  }
.Ltmp1:
0x24: {  	s21 =	sshrl.u32 s21, $0x3;
	[sflag:s13] =	ssyncadd.s32 $0xFFFFFF80;
	(pc) =	sbr.rel @p1 .LBB2_4-.Ltmp1, $4  }
0x25: {  	[spmem:s21], [sflag:s7] =	dma.local [hbm:s5], $0x80  }
0x26: {  	_ = 	snop  }
0x27: {  	s20 =	sadd.s32 $0x8, s20;
	s21 =	sshll.u32 s22, $0x7  }
0x28: {  	s21 =	sand.u32 $0x3FFFFF80, s21;
	_ =	swait.ge [sflag:s13], $0x80  }
0x29: {  	s20 =	sadd.s32 s21, s1;
	[sflag:s13] =	ssyncset.done $0x0  }
0x2a: {  	s20 =	sshrl.u32 s20, $0x3;
	[sflag:s13] =	ssyncadd.s32 $0xFFFFFF80  }
0x2b: {  	[spmem:s20], [sflag:s7] =	dma.local [hbm:s5], $0x80  }
0x2c: {  	_ =	swait.ge [sflag:s13], $0x80  }
0x2d: {  	[sflag:s13] =	ssyncset.done $0x0  }
0x2e: {  	s21 =	smov.u32 s8;
	[sflag:s13] =	ssyncadd.s32 $0xFFFFFF80  }
0x2f: {  	s22 =	simm.s32 $0x0;
	s20 =	simm.s32 $0x0;
	[bflag:$0x0] =	sbarrier.arrive $0xFFFF  }
.LBB2_6:
0x30: {  	s23 =	sshll.u32 s22, $0xB  }
0x31: {  	s23 =	sadd.s32 s9, s23  }
0x32: {  	s23 =	sshrl.u32 s23, $0x3  }
0x33: {  	s23 =	sadd.s32 s4, s23  }
0x34: {  	[tilespmem:s20], [sflag:$0x2] =	stream.linear.gather [hbm4b:s23+s20], $0x400, $0x38;
	[tilespmem:$0x4F10] =	vst v63  }
0x35: {  	_ =	swait.ge [sflag:s13], $0x400  }
0x36: {  	[sflag:s13] =	ssyncset.done $0x0  }
0x37: {  	s23 =	sadd.s32 $0x80, s23;
	[sflag:s13] =	ssyncadd.s32 $0xFFFFFC00  }
0x38: {  	[tilespmem:s14], [sflag:$0x2] =	stream.linear.gather [hbm4b:s23+s20], $0x400, $0x38;
	[tilespmem:$0x4F10] =	vst v63  }
0x39: {  	p1 =	slt.s32 s21, $0x10;
	s23 =	smov.u32 s21  }
0x3a: {  	s23 =	simm.s32 @!p1 $0x10  }
0x3b: {  	p1 =	sne.s32 s23, $0x1  }
.Ltmp2:
0x3c: {  	_ = 	snop;
	(pc) =	sbr.rel @!p1 .LBB2_8-.Ltmp2, $4  }
0x3d: {  	_ =	swait.ge [sflag:s13], $0x400  }
0x3e: {  	[sflag:s13] =	ssyncset.done $0x0  }
0x3f: {  	s25 =	simm.s32 $0x0;
	s24 =	sadd.s32 $0xFFFFFFFF, s23;
	[sflag:s13] =	ssyncadd.s32 $0xFFFFFC00  }
0x40: {  	[spmem:s1] =	stream.indirect.scatter.add.f32 [tilespmem:s16], [sflag:$0x1], $0x10, s20, s15, $0xb8;
	[tilespmem:$0x4F10] =	vst v63  }
.LBB2_7:
0x41: {  	p2 =	sne.s32 s24, $0x1  }
.Ltmp3:
0x42: {  	_ = 	snop;
	(pc) =	sbr.rel @p2 .LBB2_7-.Ltmp3, $3  }
0x43: {  	_ = 	snop  }
0x44: {  	s24 =	sadd.s32 $0xFFFFFFFF, s24;
	s25 =	sadd.s32 $0x80, s25;
	_ =	sdelay $0x1  }
0x45: {  	[spmem:s1] =	stream.indirect.scatter.add.f32 [tilespmem:s16], [sflag:$0x1], $0x10, s25, s15, $0xb8;
	[tilespmem:$0x4F10] =	vst v63  }
.LBB2_8:
.Ltmp4:
0x46: {  	(pc) =	sbr.rel @!p1 .LBB2_10-.Ltmp4, $3  }
0x47: {  	_ =	sdelay $0x1  }
0x48: {  	_ =	swait.ge [sflag:s17], $0x400  }
0x49: {  	s23 =	sadd.s32 $0xFFFFFFFF, s23;
	[sflag:s17] =	ssyncset.done $0x0  }
.LBB2_9:
0x4a: {  	p1 =	sne.s32 s23, $0x1;
	s23 =	sadd.s32 $0xFFFFFFFF, s23;
	[sflag:s17] =	ssyncadd.s32 $0xFFFFFC00  }
.Ltmp5:
0x4b: {  	(pc) =	sbr.rel @p1 .LBB2_9-.Ltmp5, $3  }
0x4c: {  	_ =	sdelay $0x1  }
0x4d: {  	_ =	swait.ge [sflag:s17], $0x400  }
0x4e: {  	[sflag:s17] =	ssyncset.done $0x0  }
.LBB2_10:
0x4f: {  	s22 =	sadd.s32 $0x1, s22  }
0x50: {  	p1 =	sne.s32 s22, $0xA  }
.Ltmp6:
0x51: {  	_ = 	snop;
	(pc) =	sbr.rel @p1 .LBB2_6-.Ltmp6, $2  }
0x52: {  	_ =	sdelay $0x2  }
0x53: {  	[sflag:s17] =	ssyncadd.s32 $0xFFFFFC00;
	s21 =	sadd.s32 $0xFFFFFFF0, s21  }
0x54: {  	[bflag:$0x0] =	sbarrier.arrive $0xFFFF;
	s20 =	simm.s32 @p0 $0x1FC2  }
0x55: {  	[hbm:s11], [sflag:s20] =	dma.local @p0 [spmem:s18], $0x2800  }
0x56: {  	s20 =	simm.s32 @p0 $0x2  }
0x57: {  	s2 =	sadd.s32 $0x1, s2;
	_ =	swait.ge @p0 [sflag:s20], $0x2800  }
0x58: {  	p1 =	sne.s32 s2, s12;
	[sflag:s20] =	ssyncset.done @p0 $0x0  }
.Ltmp7:
0x59: {  	[sflag:s20] =	ssyncadd.s32 @p0 $0xFFFFD800;
	s20 =	simm.s32 @!p0 $0x2;
	(pc) =	sbr.rel @p1 .LBB2_1-.Ltmp7, $4  }
0x5a: {  	[hbm:s10], [sflag:s7] =	dma.local @!p0 [spmem:s19], $0x2700  }
0x5b: {  	_ =	swait.ge @!p0 [sflag:s20], $0x2700  }
0x5c: {  	[sflag:s20] =	ssyncset.done @!p0 $0x0  }
0x5d: {  	[sflag:s20] =	ssyncadd.s32 @!p0 $0xFFFFD900  }
0x5e: {  	_ =	sfence.sel $0x180000  }
0x5f: {  	[bflag:$0x0] =	sbarrier.arrive $0xFFFF  }
0x60: {  	p0 =	sne.s32 s3, $0x0;
	_ =	strace $0x9000004A  }
0x61: {  	s0 =	sadd.s32 @!p0 $0x100000, s0;
	[bflag:$0x2] =	sbarrier.arrive $0xFFFF  }
0x62: {  	[sflag:s0] =	ssyncadd.tile.s32 @!p0 $0x1;
	_ =	shalt  }
.Lfunc_end2:
_tile_overlayer_lowered:
.L_overlay_start_2:
0x63: {  	(tag) =	ssettag $0x2  }
0x64: {  	s0 =	rddreg [dreg:$0x0];
	s2 =	stileid.u32  }
0x65: {  	s1 =	rddreg [dreg:$0x1];
	p0 =	sne.s32 s2, $0x0  }
0x66: {  	s3 =	rddreg [dreg:$0x2];
	[bflag:$0x3] =	sbarrier.arrive $0xFFFF;
	s2 =	simm.s32 @!p0 $0x1C02  }
0x67: {  	[timem:s3], [sflag:s2] =	dma.local @!p0 [hbm:s0], s1  }
0x68: {  	s0 =	simm.s32 @!p0 $0x2  }
0x69: {  	_ =	swait.ge @!p0 [sflag:s0], s1  }
0x6a: {  	s1 =	ssub.s32 @!p0 $0x0, s1;
	[sflag:s0] =	ssyncset.done @!p0 $0x0  }
0x6b: {  	[sflag:s0] =	ssyncadd.s32 @!p0 s1  }
0x6c: {  	[bflag:$0x3] =	sbarrier.arrive $0xFFFF  }
0x6d: {  	_ =	shalt  }

</sc_bundles>
